<compile_context>
chip_gen: v7x
topology: tpu7x:2x2x1
jax: 0.10.2.dev20260603
libtpu: 0.0.44.dev20260713+nightly
codegen_flags: <defaults>
</compile_context>

<pallas_src>
import jax
import jax.numpy as jnp
from jax import lax
from jax.experimental import pallas as pl
from jax.experimental.pallas import tpu as pltpu
from jax.experimental.pallas import tpu_sc as plsc

B, H, W, C = 256, 16, 16, 256
NUM_CLASSES = 10
FLAT = H * W * C
SLABS = 2
CH = SLABS * C
NCH = FLAT // CH
NC, NS = 2, 16
NW = NC * NS
RW = B // NW
GROUP = SLABS * W * C // CH
GPR = H // SLABS
NG = RW * GPR
NBUF = 4
PF = NBUF - 1


def _body(t_hbm, lab_hbm, tab_hbm, out_hbm, lab_v, t_buf, e_buf, tab_s,
          sem_t, sem_e, sem_o, sem_s):
    sid = lax.axis_index("s")
    wid = sid * NC + lax.axis_index("c")
    base_row = wid * RW


    def tensor_copy(g, p):
        return pltpu.make_async_copy(
            t_hbm.at[base_row + g // GPR, pl.ds((g % GPR) * SLABS, SLABS)],
            t_buf.at[p], sem_t.at[p])

    def gather_copy(g, p):
        lab = lab_v[pl.ds(base_row + g // GPR, 16)][0]
        return pltpu.make_async_copy(
            tab_s.at[pl.ds(lab * FLAT + (g % GPR) * (GROUP * CH), GROUP * CH)],
            e_buf.at[p], sem_e.at[p])

    def store_copy(g, p):
        return pltpu.make_async_copy(
            t_buf.at[p],
            out_hbm.at[base_row + g // GPR, pl.ds((g % GPR) * SLABS, SLABS)],
            sem_o.at[p])

    for k in range(PF):
        tensor_copy(k, k).start()

    PIECE = FLAT // 8
    stage = []
    for t in range(5):
        piece = sid * 5 + t
        cls = piece // 8
        e = piece % 8
        stage.append(pltpu.make_async_copy(
            tab_hbm.at[cls, pl.ds(e * PIECE, PIECE)],
            tab_s.at[pl.ds(cls * FLAT + e * PIECE, PIECE)], sem_s))
    for c in stage:
        c.start()
    pltpu.sync_copy(lab_hbm, lab_v.at[pl.ds(0, B)])
    for c in stage:
        c.wait()
    plsc.subcore_barrier()

    for k in range(PF):
        gather_copy(k, k).start()

    def group_body(g, carry):
        p = g % NBUF

        tensor_copy(g, p).wait()
        gather_copy(g, p).wait()

        NM = C // 16

        for i in range(SLABS):
            @plsc.parallel_loop(0, W, 1, unroll=2)
            def _j(j, i=i):
                eoff = (i * W + j) * C
                vals = [e_buf[p, pl.ds(eoff + m * 16, 16)]
                        for m in range(NM)]
                for m in range(NM):
                    plsc.addupdate(t_buf.at[p, i, j, pl.ds(m * 16, 16)],
                                   vals[m])

        store_copy(g, p).start()

        @pl.when(jnp.logical_and(g >= 1, g + PF < NG))
        def _():
            store_copy(g - 1, (g - 1) % NBUF).wait()

        @pl.when(g + PF < NG)
        def _():
            tensor_copy(g + PF, (g + PF) % NBUF).start()
            gather_copy(g + PF, (g + PF) % NBUF).start()

        return carry

    lax.fori_loop(0, NG, group_body, None)
    for k in range(NG - NBUF, NG):
        store_copy(k, k % NBUF).wait()


@jax.jit
def _run(tensor, labels, tab2):
    kfn = pl.kernel(
        _body,
        out_type=jax.ShapeDtypeStruct((B, H, W, C), jnp.float32),
        mesh=plsc.VectorSubcoreMesh(core_axis_name="c", subcore_axis_name="s",
                                    num_cores=NC, num_subcores=NS),
        scratch_types=[
            pltpu.VMEM((B + 16,), jnp.int32),
            pltpu.VMEM((NBUF, SLABS, W, C), jnp.float32),
            pltpu.VMEM((NBUF, GROUP * CH), jnp.float32),
            pltpu.VMEM_SHARED((NUM_CLASSES * FLAT,), jnp.float32),
            pltpu.SemaphoreType.DMA((NBUF,)),
            pltpu.SemaphoreType.DMA((NBUF,)),
            pltpu.SemaphoreType.DMA((NBUF,)),
            pltpu.SemaphoreType.DMA,
        ],
        compiler_params=pltpu.CompilerParams(needs_layout_passes=False),
    )
    return kfn(tensor, labels, tab2)


def kernel(tensor, labels, embed_table):
    return _run(tensor, labels.astype(jnp.int32), embed_table)

# --- scband reference (transcript-rebuilt; emitter-appended) ---
"""Pipeline reference for scband-conditioning-34660386079003 (READ-ONLY COPY).

The authoritative reference and input builder live on the scoring server;
editing this copy changes nothing except your own understanding.
"""

import jax, jax.numpy as jnp
import numpy as np

B, H, W, C = 256, 16, 16, 256
NUM_CLASSES = 10
FLAT_DIM = H * W * C


def setup_inputs(seed: int = 0) -> dict:
    key = jax.random.key(seed)
    k1, k2, k3 = jax.random.split(key, 3)
    tensor = jax.random.normal(k1, (B, H, W, C), dtype=jnp.float32)
    labels = jax.random.randint(k2, (B,), 0, NUM_CLASSES, dtype=jnp.int32)
    # Embedding table: Keras RandomUniform default init is fine to approximate with small normal
    embed_table = jax.random.normal(k3, (NUM_CLASSES, FLAT_DIM), dtype=jnp.float32) * 0.05
    return {"tensor": tensor, "labels": labels, "embed_table": embed_table}


def reference(tensor, labels, embed_table):
    # embeddings = self.embed(labels)  -> gather rows of the table
    embeddings = jnp.take(embed_table, labels, axis=0)  # [B, FLAT_DIM]
    # labels_cond = tf.reshape(embeddings, [-1, *tensor.shape[1:]])
    labels_cond = embeddings.reshape((-1,) + tuple(tensor.shape[1:]))  # [B, H, W, C]
    # return tensor + labels_cond
    return tensor + labels_cond

if __name__ == "__main__":
    import jax
    _d = setup_inputs()
    print(jax.jit(kernel)(*tuple(_d.values())))

</pallas_src>

<mosaic_0001>
#map = affine_map<(d0, d1) -> (0, 0, 0, 0)>
#map1 = affine_map<(d0, d1) -> (0)>
#map2 = affine_map<(d0, d1) -> (0, 0)>
module attributes {stable_mosaic.version = 14 : i64} {
  func.func @_body(%arg0: i32, %arg1: i32, %arg2: memref<256x16x16x256xf32, #tpu.memory_space<hbm>>, %arg3: memref<256xi32, #tpu.memory_space<hbm>>, %arg4: memref<10x65536xf32, #tpu.memory_space<hbm>>, %arg5: memref<256x16x16x256xf32, #tpu.memory_space<hbm>>, %arg6: memref<272xi32, #tpu.memory_space<vmem>>, %arg7: memref<4x2x16x256xf32, #tpu.memory_space<vmem>>, %arg8: memref<4x8192xf32, #tpu.memory_space<vmem>>, %arg9: memref<655360xf32, #tpu.memory_space<vmem_shared>>, %arg10: memref<4x!tpu.dma_semaphore, #tpu.memory_space<semaphore_mem>>, %arg11: memref<4x!tpu.dma_semaphore, #tpu.memory_space<semaphore_mem>>, %arg12: memref<4x!tpu.dma_semaphore, #tpu.memory_space<semaphore_mem>>, %arg13: memref<!tpu.dma_semaphore, #tpu.memory_space<semaphore_mem>>) attributes {dimension_semantics = [#tpu.dimension_semantics<core_parallel>, #tpu.dimension_semantics<subcore_parallel>], iteration_bounds = array<i64: 2, 16>, scalar_prefetch = 0 : i64, scratch_operands = 8 : i64, tpu.core_type = #tpu.core_type<sc_vector_subcore>, window_params = [{transform_indices = #map}, {transform_indices = #map1}, {transform_indices = #map2}, {transform_indices = #map}]} {
    %mul3A = arith.constant 2 : i32
    %mul3A_0 = arith.muli %arg1, %mul3A : i32
    %add3A = arith.addi %mul3A_0, %arg0 : i32
    %mul3A_1 = arith.constant 8 : i32
    %mul3A_2 = arith.muli %add3A, %mul3A_1 : i32
    %add3A_3 = arith.constant 0 : i32
    %add3A_4 = arith.addi %mul3A_2, %add3A_3 : i32
    %dma_start3A = arith.constant 0 : i32
    %dma_start3A_5 = arith.constant 0 : i32
    %dma_start3A_6 = arith.constant 0 : i32
    %dma_start3A_7 = arith.constant 0 : i32
    %dma_start3A_8 = arith.constant 0 : i32
    %dma_start3A_9 = tpu.memref_slice %arg7[%dma_start3A, %dma_start3A_6, %dma_start3A_7, %dma_start3A_8] : memref<4x2x16x256xf32, #tpu.memory_space<vmem>> -> memref<1x2x16x256xf32, #tpu.memory_space<vmem>>
    %dma_start3A_10 = tpu.memref_squeeze %dma_start3A_9 : memref<1x2x16x256xf32, #tpu.memory_space<vmem>> -> memref<2x16x256xf32, #tpu.memory_space<vmem>>
    %dma_start3A_11 = arith.constant 0 : i32
    %dma_start3A_12 = arith.constant 0 : i32
    %dma_start3A_13 = arith.constant 0 : i32
    %dma_start3A_14 = tpu.memref_slice %arg2[%add3A_4, %dma_start3A_11, %dma_start3A_12, %dma_start3A_13] : memref<256x16x16x256xf32, #tpu.memory_space<hbm>> -> memref<1x2x16x256xf32, #tpu.memory_space<hbm>>
    %dma_start3A_15 = tpu.memref_squeeze %dma_start3A_14 : memref<1x2x16x256xf32, #tpu.memory_space<hbm>> -> memref<2x16x256xf32, #tpu.memory_space<hbm>>
    %dma_start3A_16 = tpu.memref_slice %arg10[%dma_start3A_5] : memref<4x!tpu.dma_semaphore, #tpu.memory_space<semaphore_mem>> -> memref<1x!tpu.dma_semaphore, #tpu.memory_space<semaphore_mem>>
    %dma_start3A_17 = tpu.memref_squeeze %dma_start3A_16 : memref<1x!tpu.dma_semaphore, #tpu.memory_space<semaphore_mem>> -> memref<!tpu.dma_semaphore, #tpu.memory_space<semaphore_mem>>
    %dma_start3A_18 = arith.constant 0 : i32
    %dma_start3A_19 = arith.constant 0 : i32
    %dma_start3A_20 = arith.constant 0 : i32
    %dma_start3A_21 = tpu.memref_slice %arg7[%dma_start3A, %dma_start3A_18, %dma_start3A_19, %dma_start3A_20] : memref<4x2x16x256xf32, #tpu.memory_space<vmem>> -> memref<1x2x16x256xf32, #tpu.memory_space<vmem>>
    %dma_start3A_22 = tpu.memref_squeeze %dma_start3A_21 : memref<1x2x16x256xf32, #tpu.memory_space<vmem>> -> memref<2x16x256xf32, #tpu.memory_space<vmem>>
    %dma_start3A_23 = arith.constant 0 : i32
    %dma_start3A_24 = arith.constant 0 : i32
    %dma_start3A_25 = arith.constant 0 : i32
    %dma_start3A_26 = tpu.memref_slice %arg2[%add3A_4, %dma_start3A_23, %dma_start3A_24, %dma_start3A_25] : memref<256x16x16x256xf32, #tpu.memory_space<hbm>> -> memref<1x2x16x256xf32, #tpu.memory_space<hbm>>
    %dma_start3A_27 = tpu.memref_squeeze %dma_start3A_26 : memref<1x2x16x256xf32, #tpu.memory_space<hbm>> -> memref<2x16x256xf32, #tpu.memory_space<hbm>>
    tpu.enqueue_dma source(%dma_start3A_27 : memref<2x16x256xf32, #tpu.memory_space<hbm>>) target(%dma_start3A_22 : memref<2x16x256xf32, #tpu.memory_space<vmem>>) target_semaphore(%dma_start3A_17 : memref<!tpu.dma_semaphore, #tpu.memory_space<semaphore_mem>>)
    %add3A_28 = arith.constant 0 : i32
    %add3A_29 = arith.addi %mul3A_2, %add3A_28 : i32
    %dma_start3A_30 = arith.constant 1 : i32
    %dma_start3A_31 = arith.constant 1 : i32
    %dma_start3A_32 = arith.constant 0 : i32
    %dma_start3A_33 = arith.constant 0 : i32
    %dma_start3A_34 = arith.constant 0 : i32
    %dma_start3A_35 = tpu.memref_slice %arg7[%dma_start3A_30, %dma_start3A_32, %dma_start3A_33, %dma_start3A_34] : memref<4x2x16x256xf32, #tpu.memory_space<vmem>> -> memref<1x2x16x256xf32, #tpu.memory_space<vmem>>
    %dma_start3A_36 = tpu.memref_squeeze %dma_start3A_35 : memref<1x2x16x256xf32, #tpu.memory_space<vmem>> -> memref<2x16x256xf32, #tpu.memory_space<vmem>>
    %dma_start3A_37 = arith.constant 2 : i32
    %dma_start3A_38 = arith.constant 0 : i32
    %dma_start3A_39 = arith.constant 0 : i32
    %dma_start3A_40 = tpu.memref_slice %arg2[%add3A_29, %dma_start3A_37, %dma_start3A_38, %dma_start3A_39] : memref<256x16x16x256xf32, #tpu.memory_space<hbm>> -> memref<1x2x16x256xf32, #tpu.memory_space<hbm>>
    %dma_start3A_41 = tpu.memref_squeeze %dma_start3A_40 : memref<1x2x16x256xf32, #tpu.memory_space<hbm>> -> memref<2x16x256xf32, #tpu.memory_space<hbm>>
    %dma_start3A_42 = tpu.memref_slice %arg10[%dma_start3A_31] : memref<4x!tpu.dma_semaphore, #tpu.memory_space<semaphore_mem>> -> memref<1x!tpu.dma_semaphore, #tpu.memory_space<semaphore_mem>>
    %dma_start3A_43 = tpu.memref_squeeze %dma_start3A_42 : memref<1x!tpu.dma_semaphore, #tpu.memory_space<semaphore_mem>> -> memref<!tpu.dma_semaphore, #tpu.memory_space<semaphore_mem>>
    %dma_start3A_44 = arith.constant 0 : i32
    %dma_start3A_45 = arith.constant 0 : i32
    %dma_start3A_46 = arith.constant 0 : i32
    %dma_start3A_47 = tpu.memref_slice %arg7[%dma_start3A_30, %dma_start3A_44, %dma_start3A_45, %dma_start3A_46] : memref<4x2x16x256xf32, #tpu.memory_space<vmem>> -> memref<1x2x16x256xf32, #tpu.memory_space<vmem>>
    %dma_start3A_48 = tpu.memref_squeeze %dma_start3A_47 : memref<1x2x16x256xf32, #tpu.memory_space<vmem>> -> memref<2x16x256xf32, #tpu.memory_space<vmem>>
    %dma_start3A_49 = arith.constant 2 : i32
    %dma_start3A_50 = arith.constant 0 : i32
    %dma_start3A_51 = arith.constant 0 : i32
    %dma_start3A_52 = tpu.memref_slice %arg2[%add3A_29, %dma_start3A_49, %dma_start3A_50, %dma_start3A_51] : memref<256x16x16x256xf32, #tpu.memory_space<hbm>> -> memref<1x2x16x256xf32, #tpu.memory_space<hbm>>
    %dma_start3A_53 = tpu.memref_squeeze %dma_start3A_52 : memref<1x2x16x256xf32, #tpu.memory_space<hbm>> -> memref<2x16x256xf32, #tpu.memory_space<hbm>>
    tpu.enqueue_dma source(%dma_start3A_53 : memref<2x16x256xf32, #tpu.memory_space<hbm>>) target(%dma_start3A_48 : memref<2x16x256xf32, #tpu.memory_space<vmem>>) target_semaphore(%dma_start3A_43 : memref<!tpu.dma_semaphore, #tpu.memory_space<semaphore_mem>>)
    %add3A_54 = arith.constant 0 : i32
    %add3A_55 = arith.addi %mul3A_2, %add3A_54 : i32
    %dma_start3A_56 = arith.constant 2 : i32
    %dma_start3A_57 = arith.constant 2 : i32
    %dma_start3A_58 = arith.constant 0 : i32
    %dma_start3A_59 = arith.constant 0 : i32
    %dma_start3A_60 = arith.constant 0 : i32
    %dma_start3A_61 = tpu.memref_slice %arg7[%dma_start3A_56, %dma_start3A_58, %dma_start3A_59, %dma_start3A_60] : memref<4x2x16x256xf32, #tpu.memory_space<vmem>> -> memref<1x2x16x256xf32, #tpu.memory_space<vmem>>
    %dma_start3A_62 = tpu.memref_squeeze %dma_start3A_61 : memref<1x2x16x256xf32, #tpu.memory_space<vmem>> -> memref<2x16x256xf32, #tpu.memory_space<vmem>>
    %dma_start3A_63 = arith.constant 4 : i32
    %dma_start3A_64 = arith.constant 0 : i32
    %dma_start3A_65 = arith.constant 0 : i32
    %dma_start3A_66 = tpu.memref_slice %arg2[%add3A_55, %dma_start3A_63, %dma_start3A_64, %dma_start3A_65] : memref<256x16x16x256xf32, #tpu.memory_space<hbm>> -> memref<1x2x16x256xf32, #tpu.memory_space<hbm>>
    %dma_start3A_67 = tpu.memref_squeeze %dma_start3A_66 : memref<1x2x16x256xf32, #tpu.memory_space<hbm>> -> memref<2x16x256xf32, #tpu.memory_space<hbm>>
    %dma_start3A_68 = tpu.memref_slice %arg10[%dma_start3A_57] : memref<4x!tpu.dma_semaphore, #tpu.memory_space<semaphore_mem>> -> memref<1x!tpu.dma_semaphore, #tpu.memory_space<semaphore_mem>>
    %dma_start3A_69 = tpu.memref_squeeze %dma_start3A_68 : memref<1x!tpu.dma_semaphore, #tpu.memory_space<semaphore_mem>> -> memref<!tpu.dma_semaphore, #tpu.memory_space<semaphore_mem>>
    %dma_start3A_70 = arith.constant 0 : i32
    %dma_start3A_71 = arith.constant 0 : i32
    %dma_start3A_72 = arith.constant 0 : i32
    %dma_start3A_73 = tpu.memref_slice %arg7[%dma_start3A_56, %dma_start3A_70, %dma_start3A_71, %dma_start3A_72] : memref<4x2x16x256xf32, #tpu.memory_space<vmem>> -> memref<1x2x16x256xf32, #tpu.memory_space<vmem>>
    %dma_start3A_74 = tpu.memref_squeeze %dma_start3A_73 : memref<1x2x16x256xf32, #tpu.memory_space<vmem>> -> memref<2x16x256xf32, #tpu.memory_space<vmem>>
    %dma_start3A_75 = arith.constant 4 : i32
    %dma_start3A_76 = arith.constant 0 : i32
    %dma_start3A_77 = arith.constant 0 : i32
    %dma_start3A_78 = tpu.memref_slice %arg2[%add3A_55, %dma_start3A_75, %dma_start3A_76, %dma_start3A_77] : memref<256x16x16x256xf32, #tpu.memory_space<hbm>> -> memref<1x2x16x256xf32, #tpu.memory_space<hbm>>
    %dma_start3A_79 = tpu.memref_squeeze %dma_start3A_78 : memref<1x2x16x256xf32, #tpu.memory_space<hbm>> -> memref<2x16x256xf32, #tpu.memory_space<hbm>>
    tpu.enqueue_dma source(%dma_start3A_79 : memref<2x16x256xf32, #tpu.memory_space<hbm>>) target(%dma_start3A_74 : memref<2x16x256xf32, #tpu.memory_space<vmem>>) target_semaphore(%dma_start3A_69 : memref<!tpu.dma_semaphore, #tpu.memory_space<semaphore_mem>>)
    %mul3A_80 = arith.constant 5 : i32
    %mul3A_81 = arith.muli %arg1, %mul3A_80 : i32
    %add3A_82 = arith.constant 0 : i32
    %add3A_83 = arith.addi %mul3A_81, %add3A_82 : i32
    %jit3A = arith.constant 8 : i32
    %div3A = arith.divsi %add3A_83, %jit3A : i32
    %sign3A = arith.constant 0 : i32
    %sign3A_84 = arith.cmpi sgt, %add3A_83, %sign3A : i32
    %sign3A_85 = arith.extui %sign3A_84 : i1 to i32
    %sign3A_86 = arith.constant 0 : i32
    %sign3A_87 = arith.cmpi slt, %add3A_83, %sign3A_86 : i32
    %sign3A_88 = arith.extui %sign3A_87 : i1 to i32
    %sign3A_89 = arith.subi %sign3A_85, %sign3A_88 : i32
    %sign3A_90 = arith.constant 0 : i32
    %sign3A_91 = arith.cmpi sgt, %jit3A, %sign3A_90 : i32
    %sign3A_92 = arith.extui %sign3A_91 : i1 to i32
    %sign3A_93 = arith.constant 0 : i32
    %sign3A_94 = arith.cmpi slt, %jit3A, %sign3A_93 : i32
    %sign3A_95 = arith.extui %sign3A_94 : i1 to i32
    %sign3A_96 = arith.subi %sign3A_92, %sign3A_95 : i32
    %ne3A = arith.cmpi ne, %sign3A_89, %sign3A_96 : i32
    %rem3A = arith.remsi %add3A_83, %jit3A : i32
    %ne3A_97 = arith.constant 0 : i32
    %ne3A_98 = arith.cmpi ne, %rem3A, %ne3A_97 : i32
    %and3A = arith.andi %ne3A, %ne3A_98 : i1
    %sub3A = arith.constant 1 : i32
    %sub3A_99 = arith.subi %div3A, %sub3A : i32
    %select_n3A = arith.select %and3A, %sub3A_99, %div3A : i32
    %jit3A_100 = arith.constant 8 : i32
    %eq3A = arith.constant 0 : i32
    %eq3A_101 = arith.cmpi eq, %jit3A_100, %eq3A : i32
    %jit3A_102 = arith.constant 1 : i32
    %select_n3A_103 = arith.select %eq3A_101, %jit3A_102, %jit3A_100 : i32
    %rem3A_104 = arith.remsi %add3A_83, %select_n3A_103 : i32
    %ne3A_105 = arith.constant 0 : i32
    %ne3A_106 = arith.cmpi ne, %rem3A_104, %ne3A_105 : i32
    %lt3A = arith.constant 0 : i32
    %lt3A_107 = arith.cmpi slt, %rem3A_104, %lt3A : i32
    %lt3A_108 = arith.constant 0 : i32
    %lt3A_109 = arith.cmpi slt, %select_n3A_103, %lt3A_108 : i32
    %ne3A_110 = arith.xori %lt3A_107, %lt3A_109 : i1
    %and3A_111 = arith.andi %ne3A_110, %ne3A_106 : i1
    %add3A_112 = arith.addi %rem3A_104, %select_n3A_103 : i32
    %select_n3A_113 = arith.select %and3A_111, %add3A_112, %rem3A_104 : i32
    %mul3A_114 = arith.constant 8192 : i32
    %mul3A_115 = arith.muli %select_n3A_113, %mul3A_114 : i32
    %mul3A_116 = arith.constant 65536 : i32
    %mul3A_117 = arith.muli %select_n3A, %mul3A_116 : i32
    %mul3A_118 = arith.constant 8192 : i32
    %mul3A_119 = arith.muli %select_n3A_113, %mul3A_118 : i32
    %add3A_120 = arith.addi %mul3A_117, %mul3A_119 : i32
    %mul3A_121 = arith.constant 5 : i32
    %mul3A_122 = arith.muli %arg1, %mul3A_121 : i32
    %add3A_123 = arith.constant 1 : i32
    %add3A_124 = arith.addi %mul3A_122, %add3A_123 : i32
    %jit3A_125 = arith.constant 8 : i32
    %div3A_126 = arith.divsi %add3A_124, %jit3A_125 : i32
    %sign3A_127 = arith.constant 0 : i32
    %sign3A_128 = arith.cmpi sgt, %add3A_124, %sign3A_127 : i32
    %sign3A_129 = arith.extui %sign3A_128 : i1 to i32
    %sign3A_130 = arith.constant 0 : i32
    %sign3A_131 = arith.cmpi slt, %add3A_124, %sign3A_130 : i32
    %sign3A_132 = arith.extui %sign3A_131 : i1 to i32
    %sign3A_133 = arith.subi %sign3A_129, %sign3A_132 : i32
    %sign3A_134 = arith.constant 0 : i32
    %sign3A_135 = arith.cmpi sgt, %jit3A_125, %sign3A_134 : i32
    %sign3A_136 = arith.extui %sign3A_135 : i1 to i32
    %sign3A_137 = arith.constant 0 : i32
    %sign3A_138 = arith.cmpi slt, %jit3A_125, %sign3A_137 : i32
    %sign3A_139 = arith.extui %sign3A_138 : i1 to i32
    %sign3A_140 = arith.subi %sign3A_136, %sign3A_139 : i32
    %ne3A_141 = arith.cmpi ne, %sign3A_133, %sign3A_140 : i32
    %rem3A_142 = arith.remsi %add3A_124, %jit3A_125 : i32
    %ne3A_143 = arith.constant 0 : i32
    %ne3A_144 = arith.cmpi ne, %rem3A_142, %ne3A_143 : i32
    %and3A_145 = arith.andi %ne3A_141, %ne3A_144 : i1
    %sub3A_146 = arith.constant 1 : i32
    %sub3A_147 = arith.subi %div3A_126, %sub3A_146 : i32
    %select_n3A_148 = arith.select %and3A_145, %sub3A_147, %div3A_126 : i32
    %jit3A_149 = arith.constant 8 : i32
    %eq3A_150 = arith.constant 0 : i32
    %eq3A_151 = arith.cmpi eq, %jit3A_149, %eq3A_150 : i32
    %jit3A_152 = arith.constant 1 : i32
    %select_n3A_153 = arith.select %eq3A_151, %jit3A_152, %jit3A_149 : i32
    %rem3A_154 = arith.remsi %add3A_124, %select_n3A_153 : i32
    %ne3A_155 = arith.constant 0 : i32
    %ne3A_156 = arith.cmpi ne, %rem3A_154, %ne3A_155 : i32
    %lt3A_157 = arith.constant 0 : i32
    %lt3A_158 = arith.cmpi slt, %rem3A_154, %lt3A_157 : i32
    %lt3A_159 = arith.constant 0 : i32
    %lt3A_160 = arith.cmpi slt, %select_n3A_153, %lt3A_159 : i32
    %ne3A_161 = arith.xori %lt3A_158, %lt3A_160 : i1
    %and3A_162 = arith.andi %ne3A_161, %ne3A_156 : i1
    %add3A_163 = arith.addi %rem3A_154, %select_n3A_153 : i32
    %select_n3A_164 = arith.select %and3A_162, %add3A_163, %rem3A_154 : i32
    %mul3A_165 = arith.constant 8192 : i32
    %mul3A_166 = arith.muli %select_n3A_164, %mul3A_165 : i32
    %mul3A_167 = arith.constant 65536 : i32
    %mul3A_168 = arith.muli %select_n3A_148, %mul3A_167 : i32
    %mul3A_169 = arith.constant 8192 : i32
    %mul3A_170 = arith.muli %select_n3A_164, %mul3A_169 : i32
    %add3A_171 = arith.addi %mul3A_168, %mul3A_170 : i32
    %mul3A_172 = arith.constant 5 : i32
    %mul3A_173 = arith.muli %arg1, %mul3A_172 : i32
    %add3A_174 = arith.constant 2 : i32
    %add3A_175 = arith.addi %mul3A_173, %add3A_174 : i32
    %jit3A_176 = arith.constant 8 : i32
    %div3A_177 = arith.divsi %add3A_175, %jit3A_176 : i32
    %sign3A_178 = arith.constant 0 : i32
    %sign3A_179 = arith.cmpi sgt, %add3A_175, %sign3A_178 : i32
    %sign3A_180 = arith.extui %sign3A_179 : i1 to i32
    %sign3A_181 = arith.constant 0 : i32
    %sign3A_182 = arith.cmpi slt, %add3A_175, %sign3A_181 : i32
    %sign3A_183 = arith.extui %sign3A_182 : i1 to i32
    %sign3A_184 = arith.subi %sign3A_180, %sign3A_183 : i32
    %sign3A_185 = arith.constant 0 : i32
    %sign3A_186 = arith.cmpi sgt, %jit3A_176, %sign3A_185 : i32
    %sign3A_187 = arith.extui %sign3A_186 : i1 to i32
    %sign3A_188 = arith.constant 0 : i32
    %sign3A_189 = arith.cmpi slt, %jit3A_176, %sign3A_188 : i32
    %sign3A_190 = arith.extui %sign3A_189 : i1 to i32
    %sign3A_191 = arith.subi %sign3A_187, %sign3A_190 : i32
    %ne3A_192 = arith.cmpi ne, %sign3A_184, %sign3A_191 : i32
    %rem3A_193 = arith.remsi %add3A_175, %jit3A_176 : i32
    %ne3A_194 = arith.constant 0 : i32
    %ne3A_195 = arith.cmpi ne, %rem3A_193, %ne3A_194 : i32
    %and3A_196 = arith.andi %ne3A_192, %ne3A_195 : i1
    %sub3A_197 = arith.constant 1 : i32
    %sub3A_198 = arith.subi %div3A_177, %sub3A_197 : i32
    %select_n3A_199 = arith.select %and3A_196, %sub3A_198, %div3A_177 : i32
    %jit3A_200 = arith.constant 8 : i32
    %eq3A_201 = arith.constant 0 : i32
    %eq3A_202 = arith.cmpi eq, %jit3A_200, %eq3A_201 : i32
    %jit3A_203 = arith.constant 1 : i32
    %select_n3A_204 = arith.select %eq3A_202, %jit3A_203, %jit3A_200 : i32
    %rem3A_205 = arith.remsi %add3A_175, %select_n3A_204 : i32
    %ne3A_206 = arith.constant 0 : i32
    %ne3A_207 = arith.cmpi ne, %rem3A_205, %ne3A_206 : i32
    %lt3A_208 = arith.constant 0 : i32
    %lt3A_209 = arith.cmpi slt, %rem3A_205, %lt3A_208 : i32
    %lt3A_210 = arith.constant 0 : i32
    %lt3A_211 = arith.cmpi slt, %select_n3A_204, %lt3A_210 : i32
    %ne3A_212 = arith.xori %lt3A_209, %lt3A_211 : i1
    %and3A_213 = arith.andi %ne3A_212, %ne3A_207 : i1
    %add3A_214 = arith.addi %rem3A_205, %select_n3A_204 : i32
    %select_n3A_215 = arith.select %and3A_213, %add3A_214, %rem3A_205 : i32
    %mul3A_216 = arith.constant 8192 : i32
    %mul3A_217 = arith.muli %select_n3A_215, %mul3A_216 : i32
    %mul3A_218 = arith.constant 65536 : i32
    %mul3A_219 = arith.muli %select_n3A_199, %mul3A_218 : i32
    %mul3A_220 = arith.constant 8192 : i32
    %mul3A_221 = arith.muli %select_n3A_215, %mul3A_220 : i32
    %add3A_222 = arith.addi %mul3A_219, %mul3A_221 : i32
    %mul3A_223 = arith.constant 5 : i32
    %mul3A_224 = arith.muli %arg1, %mul3A_223 : i32
    %add3A_225 = arith.constant 3 : i32
    %add3A_226 = arith.addi %mul3A_224, %add3A_225 : i32
    %jit3A_227 = arith.constant 8 : i32
    %div3A_228 = arith.divsi %add3A_226, %jit3A_227 : i32
    %sign3A_229 = arith.constant 0 : i32
    %sign3A_230 = arith.cmpi sgt, %add3A_226, %sign3A_229 : i32
    %sign3A_231 = arith.extui %sign3A_230 : i1 to i32
    %sign3A_232 = arith.constant 0 : i32
    %sign3A_233 = arith.cmpi slt, %add3A_226, %sign3A_232 : i32
    %sign3A_234 = arith.extui %sign3A_233 : i1 to i32
    %sign3A_235 = arith.subi %sign3A_231, %sign3A_234 : i32
    %sign3A_236 = arith.constant 0 : i32
    %sign3A_237 = arith.cmpi sgt, %jit3A_227, %sign3A_236 : i32
    %sign3A_238 = arith.extui %sign3A_237 : i1 to i32
    %sign3A_239 = arith.constant 0 : i32
    %sign3A_240 = arith.cmpi slt, %jit3A_227, %sign3A_239 : i32
    %sign3A_241 = arith.extui %sign3A_240 : i1 to i32
    %sign3A_242 = arith.subi %sign3A_238, %sign3A_241 : i32
    %ne3A_243 = arith.cmpi ne, %sign3A_235, %sign3A_242 : i32
    %rem3A_244 = arith.remsi %add3A_226, %jit3A_227 : i32
    %ne3A_245 = arith.constant 0 : i32
    %ne3A_246 = arith.cmpi ne, %rem3A_244, %ne3A_245 : i32
    %and3A_247 = arith.andi %ne3A_243, %ne3A_246 : i1
    %sub3A_248 = arith.constant 1 : i32
    %sub3A_249 = arith.subi %div3A_228, %sub3A_248 : i32
    %select_n3A_250 = arith.select %and3A_247, %sub3A_249, %div3A_228 : i32
    %jit3A_251 = arith.constant 8 : i32
    %eq3A_252 = arith.constant 0 : i32
    %eq3A_253 = arith.cmpi eq, %jit3A_251, %eq3A_252 : i32
    %jit3A_254 = arith.constant 1 : i32
    %select_n3A_255 = arith.select %eq3A_253, %jit3A_254, %jit3A_251 : i32
    %rem3A_256 = arith.remsi %add3A_226, %select_n3A_255 : i32
    %ne3A_257 = arith.constant 0 : i32
    %ne3A_258 = arith.cmpi ne, %rem3A_256, %ne3A_257 : i32
    %lt3A_259 = arith.constant 0 : i32
    %lt3A_260 = arith.cmpi slt, %rem3A_256, %lt3A_259 : i32
    %lt3A_261 = arith.constant 0 : i32
    %lt3A_262 = arith.cmpi slt, %select_n3A_255, %lt3A_261 : i32
    %ne3A_263 = arith.xori %lt3A_260, %lt3A_262 : i1
    %and3A_264 = arith.andi %ne3A_263, %ne3A_258 : i1
    %add3A_265 = arith.addi %rem3A_256, %select_n3A_255 : i32
    %select_n3A_266 = arith.select %and3A_264, %add3A_265, %rem3A_256 : i32
    %mul3A_267 = arith.constant 8192 : i32
    %mul3A_268 = arith.muli %select_n3A_266, %mul3A_267 : i32
    %mul3A_269 = arith.constant 65536 : i32
    %mul3A_270 = arith.muli %select_n3A_250, %mul3A_269 : i32
    %mul3A_271 = arith.constant 8192 : i32
    %mul3A_272 = arith.muli %select_n3A_266, %mul3A_271 : i32
    %add3A_273 = arith.addi %mul3A_270, %mul3A_272 : i32
    %mul3A_274 = arith.constant 5 : i32
    %mul3A_275 = arith.muli %arg1, %mul3A_274 : i32
    %add3A_276 = arith.constant 4 : i32
    %add3A_277 = arith.addi %mul3A_275, %add3A_276 : i32
    %jit3A_278 = arith.constant 8 : i32
    %div3A_279 = arith.divsi %add3A_277, %jit3A_278 : i32
    %sign3A_280 = arith.constant 0 : i32
    %sign3A_281 = arith.cmpi sgt, %add3A_277, %sign3A_280 : i32
    %sign3A_282 = arith.extui %sign3A_281 : i1 to i32
    %sign3A_283 = arith.constant 0 : i32
    %sign3A_284 = arith.cmpi slt, %add3A_277, %sign3A_283 : i32
    %sign3A_285 = arith.extui %sign3A_284 : i1 to i32
    %sign3A_286 = arith.subi %sign3A_282, %sign3A_285 : i32
    %sign3A_287 = arith.constant 0 : i32
    %sign3A_288 = arith.cmpi sgt, %jit3A_278, %sign3A_287 : i32
    %sign3A_289 = arith.extui %sign3A_288 : i1 to i32
    %sign3A_290 = arith.constant 0 : i32
    %sign3A_291 = arith.cmpi slt, %jit3A_278, %sign3A_290 : i32
    %sign3A_292 = arith.extui %sign3A_291 : i1 to i32
    %sign3A_293 = arith.subi %sign3A_289, %sign3A_292 : i32
    %ne3A_294 = arith.cmpi ne, %sign3A_286, %sign3A_293 : i32
    %rem3A_295 = arith.remsi %add3A_277, %jit3A_278 : i32
    %ne3A_296 = arith.constant 0 : i32
    %ne3A_297 = arith.cmpi ne, %rem3A_295, %ne3A_296 : i32
    %and3A_298 = arith.andi %ne3A_294, %ne3A_297 : i1
    %sub3A_299 = arith.constant 1 : i32
    %sub3A_300 = arith.subi %div3A_279, %sub3A_299 : i32
    %select_n3A_301 = arith.select %and3A_298, %sub3A_300, %div3A_279 : i32
    %jit3A_302 = arith.constant 8 : i32
    %eq3A_303 = arith.constant 0 : i32
    %eq3A_304 = arith.cmpi eq, %jit3A_302, %eq3A_303 : i32
    %jit3A_305 = arith.constant 1 : i32
    %select_n3A_306 = arith.select %eq3A_304, %jit3A_305, %jit3A_302 : i32
    %rem3A_307 = arith.remsi %add3A_277, %select_n3A_306 : i32
    %ne3A_308 = arith.constant 0 : i32
    %ne3A_309 = arith.cmpi ne, %rem3A_307, %ne3A_308 : i32
    %lt3A_310 = arith.constant 0 : i32
    %lt3A_311 = arith.cmpi slt, %rem3A_307, %lt3A_310 : i32
    %lt3A_312 = arith.constant 0 : i32
    %lt3A_313 = arith.cmpi slt, %select_n3A_306, %lt3A_312 : i32
    %ne3A_314 = arith.xori %lt3A_311, %lt3A_313 : i1
    %and3A_315 = arith.andi %ne3A_314, %ne3A_309 : i1
    %add3A_316 = arith.addi %rem3A_307, %select_n3A_306 : i32
    %select_n3A_317 = arith.select %and3A_315, %add3A_316, %rem3A_307 : i32
    %mul3A_318 = arith.constant 8192 : i32
    %mul3A_319 = arith.muli %select_n3A_317, %mul3A_318 : i32
    %mul3A_320 = arith.constant 65536 : i32
    %mul3A_321 = arith.muli %select_n3A_301, %mul3A_320 : i32
    %mul3A_322 = arith.constant 8192 : i32
    %mul3A_323 = arith.muli %select_n3A_317, %mul3A_322 : i32
    %add3A_324 = arith.addi %mul3A_321, %mul3A_323 : i32
    %dma_start3A_325 = tpu.memref_slice %arg9[%add3A_120] : memref<655360xf32, #tpu.memory_space<vmem_shared>> -> memref<8192xf32, #tpu.memory_space<vmem_shared>>
    %dma_start3A_326 = tpu.memref_slice %arg4[%select_n3A, %mul3A_115] : memref<10x65536xf32, #tpu.memory_space<hbm>> -> memref<1x8192xf32, #tpu.memory_space<hbm>>
    %dma_start3A_327 = tpu.memref_squeeze %dma_start3A_326 : memref<1x8192xf32, #tpu.memory_space<hbm>> -> memref<8192xf32, #tpu.memory_space<hbm>>
    tpu.enqueue_dma source(%dma_start3A_327 : memref<8192xf32, #tpu.memory_space<hbm>>) target(%dma_start3A_325 : memref<8192xf32, #tpu.memory_space<vmem_shared>>) target_semaphore(%arg13 : memref<!tpu.dma_semaphore, #tpu.memory_space<semaphore_mem>>)
    %dma_start3A_328 = tpu.memref_slice %arg9[%add3A_171] : memref<655360xf32, #tpu.memory_space<vmem_shared>> -> memref<8192xf32, #tpu.memory_space<vmem_shared>>
    %dma_start3A_329 = tpu.memref_slice %arg4[%select_n3A_148, %mul3A_166] : memref<10x65536xf32, #tpu.memory_space<hbm>> -> memref<1x8192xf32, #tpu.memory_space<hbm>>
    %dma_start3A_330 = tpu.memref_squeeze %dma_start3A_329 : memref<1x8192xf32, #tpu.memory_space<hbm>> -> memref<8192xf32, #tpu.memory_space<hbm>>
    tpu.enqueue_dma source(%dma_start3A_330 : memref<8192xf32, #tpu.memory_space<hbm>>) target(%dma_start3A_328 : memref<8192xf32, #tpu.memory_space<vmem_shared>>) target_semaphore(%arg13 : memref<!tpu.dma_semaphore, #tpu.memory_space<semaphore_mem>>)
    %dma_start3A_331 = tpu.memref_slice %arg9[%add3A_222] : memref<655360xf32, #tpu.memory_space<vmem_shared>> -> memref<8192xf32, #tpu.memory_space<vmem_shared>>
    %dma_start3A_332 = tpu.memref_slice %arg4[%select_n3A_199, %mul3A_217] : memref<10x65536xf32, #tpu.memory_space<hbm>> -> memref<1x8192xf32, #tpu.memory_space<hbm>>
    %dma_start3A_333 = tpu.memref_squeeze %dma_start3A_332 : memref<1x8192xf32, #tpu.memory_space<hbm>> -> memref<8192xf32, #tpu.memory_space<hbm>>
    tpu.enqueue_dma source(%dma_start3A_333 : memref<8192xf32, #tpu.memory_space<hbm>>) target(%dma_start3A_331 : memref<8192xf32, #tpu.memory_space<vmem_shared>>) target_semaphore(%arg13 : memref<!tpu.dma_semaphore, #tpu.memory_space<semaphore_mem>>)
    %dma_start3A_334 = tpu.memref_slice %arg9[%add3A_273] : memref<655360xf32, #tpu.memory_space<vmem_shared>> -> memref<8192xf32, #tpu.memory_space<vmem_shared>>
    %dma_start3A_335 = tpu.memref_slice %arg4[%select_n3A_250, %mul3A_268] : memref<10x65536xf32, #tpu.memory_space<hbm>> -> memref<1x8192xf32, #tpu.memory_space<hbm>>
    %dma_start3A_336 = tpu.memref_squeeze %dma_start3A_335 : memref<1x8192xf32, #tpu.memory_space<hbm>> -> memref<8192xf32, #tpu.memory_space<hbm>>
    tpu.enqueue_dma source(%dma_start3A_336 : memref<8192xf32, #tpu.memory_space<hbm>>) target(%dma_start3A_334 : memref<8192xf32, #tpu.memory_space<vmem_shared>>) target_semaphore(%arg13 : memref<!tpu.dma_semaphore, #tpu.memory_space<semaphore_mem>>)
    %dma_start3A_337 = tpu.memref_slice %arg9[%add3A_324] : memref<655360xf32, #tpu.memory_space<vmem_shared>> -> memref<8192xf32, #tpu.memory_space<vmem_shared>>
    %dma_start3A_338 = tpu.memref_slice %arg4[%select_n3A_301, %mul3A_319] : memref<10x65536xf32, #tpu.memory_space<hbm>> -> memref<1x8192xf32, #tpu.memory_space<hbm>>
    %dma_start3A_339 = tpu.memref_squeeze %dma_start3A_338 : memref<1x8192xf32, #tpu.memory_space<hbm>> -> memref<8192xf32, #tpu.memory_space<hbm>>
    tpu.enqueue_dma source(%dma_start3A_339 : memref<8192xf32, #tpu.memory_space<hbm>>) target(%dma_start3A_337 : memref<8192xf32, #tpu.memory_space<vmem_shared>>) target_semaphore(%arg13 : memref<!tpu.dma_semaphore, #tpu.memory_space<semaphore_mem>>)
    "tpu.region"() ({
      %run_scoped3A = tpu.sem_alloc : memref<!tpu.dma_semaphore, #tpu.memory_space<semaphore_mem>>
      %dma_start3A_525 = arith.constant 0 : i32
      %dma_start3A_526 = tpu.memref_slice %arg6[%dma_start3A_525] : memref<272xi32, #tpu.memory_space<vmem>> -> memref<256xi32, #tpu.memory_space<vmem>>
      %dma_start3A_527 = arith.constant 0 : i32
      %dma_start3A_528 = tpu.memref_slice %arg6[%dma_start3A_527] : memref<272xi32, #tpu.memory_space<vmem>> -> memref<256xi32, #tpu.memory_space<vmem>>
      tpu.enqueue_dma source(%arg3 : memref<256xi32, #tpu.memory_space<hbm>>) target(%dma_start3A_528 : memref<256xi32, #tpu.memory_space<vmem>>) target_semaphore(%run_scoped3A : memref<!tpu.dma_semaphore, #tpu.memory_space<semaphore_mem>>)
      %dma_wait3A_529 = arith.constant 0 : i32
      %dma_wait3A_530 = tpu.memref_slice %arg6[%dma_wait3A_529] : memref<272xi32, #tpu.memory_space<vmem>> -> memref<256xi32, #tpu.memory_space<vmem>>
      %dma_wait3A_531 = arith.constant 0 : i32
      %dma_wait3A_532 = tpu.memref_slice %arg6[%dma_wait3A_531] : memref<272xi32, #tpu.memory_space<vmem>> -> memref<256xi32, #tpu.memory_space<vmem>>
      tpu.wait_dma2 semaphore(%run_scoped3A : memref<!tpu.dma_semaphore, #tpu.memory_space<semaphore_mem>>) src(%arg3 : memref<256xi32, #tpu.memory_space<hbm>>) dst(%dma_wait3A_532 : memref<256xi32, #tpu.memory_space<vmem>>)
      tpu.yield
    }) : () -> ()
    %dma_wait3A = tpu.memref_slice %arg9[%add3A_120] : memref<655360xf32, #tpu.memory_space<vmem_shared>> -> memref<8192xf32, #tpu.memory_space<vmem_shared>>
    %dma_wait3A_340 = tpu.memref_slice %arg4[%select_n3A, %mul3A_115] : memref<10x65536xf32, #tpu.memory_space<hbm>> -> memref<1x8192xf32, #tpu.memory_space<hbm>>
    %dma_wait3A_341 = tpu.memref_squeeze %dma_wait3A_340 : memref<1x8192xf32, #tpu.memory_space<hbm>> -> memref<8192xf32, #tpu.memory_space<hbm>>
    tpu.wait_dma2 semaphore(%arg13 : memref<!tpu.dma_semaphore, #tpu.memory_space<semaphore_mem>>) src(%dma_wait3A_341 : memref<8192xf32, #tpu.memory_space<hbm>>) dst(%dma_wait3A : memref<8192xf32, #tpu.memory_space<vmem_shared>>)
    %dma_wait3A_342 = tpu.memref_slice %arg9[%add3A_171] : memref<655360xf32, #tpu.memory_space<vmem_shared>> -> memref<8192xf32, #tpu.memory_space<vmem_shared>>
    %dma_wait3A_343 = tpu.memref_slice %arg4[%select_n3A_148, %mul3A_166] : memref<10x65536xf32, #tpu.memory_space<hbm>> -> memref<1x8192xf32, #tpu.memory_space<hbm>>
    %dma_wait3A_344 = tpu.memref_squeeze %dma_wait3A_343 : memref<1x8192xf32, #tpu.memory_space<hbm>> -> memref<8192xf32, #tpu.memory_space<hbm>>
    tpu.wait_dma2 semaphore(%arg13 : memref<!tpu.dma_semaphore, #tpu.memory_space<semaphore_mem>>) src(%dma_wait3A_344 : memref<8192xf32, #tpu.memory_space<hbm>>) dst(%dma_wait3A_342 : memref<8192xf32, #tpu.memory_space<vmem_shared>>)
    %dma_wait3A_345 = tpu.memref_slice %arg9[%add3A_222] : memref<655360xf32, #tpu.memory_space<vmem_shared>> -> memref<8192xf32, #tpu.memory_space<vmem_shared>>
    %dma_wait3A_346 = tpu.memref_slice %arg4[%select_n3A_199, %mul3A_217] : memref<10x65536xf32, #tpu.memory_space<hbm>> -> memref<1x8192xf32, #tpu.memory_space<hbm>>
    %dma_wait3A_347 = tpu.memref_squeeze %dma_wait3A_346 : memref<1x8192xf32, #tpu.memory_space<hbm>> -> memref<8192xf32, #tpu.memory_space<hbm>>
    tpu.wait_dma2 semaphore(%arg13 : memref<!tpu.dma_semaphore, #tpu.memory_space<semaphore_mem>>) src(%dma_wait3A_347 : memref<8192xf32, #tpu.memory_space<hbm>>) dst(%dma_wait3A_345 : memref<8192xf32, #tpu.memory_space<vmem_shared>>)
    %dma_wait3A_348 = tpu.memref_slice %arg9[%add3A_273] : memref<655360xf32, #tpu.memory_space<vmem_shared>> -> memref<8192xf32, #tpu.memory_space<vmem_shared>>
    %dma_wait3A_349 = tpu.memref_slice %arg4[%select_n3A_250, %mul3A_268] : memref<10x65536xf32, #tpu.memory_space<hbm>> -> memref<1x8192xf32, #tpu.memory_space<hbm>>
    %dma_wait3A_350 = tpu.memref_squeeze %dma_wait3A_349 : memref<1x8192xf32, #tpu.memory_space<hbm>> -> memref<8192xf32, #tpu.memory_space<hbm>>
    tpu.wait_dma2 semaphore(%arg13 : memref<!tpu.dma_semaphore, #tpu.memory_space<semaphore_mem>>) src(%dma_wait3A_350 : memref<8192xf32, #tpu.memory_space<hbm>>) dst(%dma_wait3A_348 : memref<8192xf32, #tpu.memory_space<vmem_shared>>)
    %dma_wait3A_351 = tpu.memref_slice %arg9[%add3A_324] : memref<655360xf32, #tpu.memory_space<vmem_shared>> -> memref<8192xf32, #tpu.memory_space<vmem_shared>>
    %dma_wait3A_352 = tpu.memref_slice %arg4[%select_n3A_301, %mul3A_319] : memref<10x65536xf32, #tpu.memory_space<hbm>> -> memref<1x8192xf32, #tpu.memory_space<hbm>>
    %dma_wait3A_353 = tpu.memref_squeeze %dma_wait3A_352 : memref<1x8192xf32, #tpu.memory_space<hbm>> -> memref<8192xf32, #tpu.memory_space<hbm>>
    tpu.wait_dma2 semaphore(%arg13 : memref<!tpu.dma_semaphore, #tpu.memory_space<semaphore_mem>>) src(%dma_wait3A_353 : memref<8192xf32, #tpu.memory_space<hbm>>) dst(%dma_wait3A_351 : memref<8192xf32, #tpu.memory_space<vmem_shared>>)
    %barrier3A = arith.constant 0 : index
    tpu.barrier barrier_id(%barrier3A)
    %add3A_354 = arith.constant 0 : i32
    %add3A_355 = arith.addi %mul3A_2, %add3A_354 : i32
    %get3A = arith.index_cast %add3A_355 : i32 to index
    %get3A_356 = tpu.vector_load %arg6[%get3A] {strides = array<i32>} : memref<272xi32, #tpu.memory_space<vmem>>, vector<16xi32>,
    %slice3A = vector.extract_strided_slice %get3A_356 {offsets = [0], sizes = [1], strides = [1]} : vector<16xi32> to vector<1xi32>
    %squeeze3A = vector.extract %slice3A[0] : i32 from vector<1xi32>
    %mul3A_357 = arith.constant 65536 : i32
    %mul3A_358 = arith.muli %squeeze3A, %mul3A_357 : i32
    %add3A_359 = arith.constant 0 : i32
    %add3A_360 = arith.addi %mul3A_358, %add3A_359 : i32
    %dma_start3A_361 = arith.constant 0 : i32
    %dma_start3A_362 = arith.constant 0 : i32
    %dma_start3A_363 = arith.constant 0 : i32
    %dma_start3A_364 = tpu.memref_slice %arg8[%dma_start3A_361, %dma_start3A_363] : memref<4x8192xf32, #tpu.memory_space<vmem>> -> memref<1x8192xf32, #tpu.memory_space<vmem>>
    %dma_start3A_365 = tpu.memref_squeeze %dma_start3A_364 : memref<1x8192xf32, #tpu.memory_space<vmem>> -> memref<8192xf32, #tpu.memory_space<vmem>>
    %dma_start3A_366 = tpu.memref_slice %arg9[%add3A_360] : memref<655360xf32, #tpu.memory_space<vmem_shared>> -> memref<8192xf32, #tpu.memory_space<vmem_shared>>
    %dma_start3A_367 = tpu.memref_slice %arg11[%dma_start3A_362] : memref<4x!tpu.dma_semaphore, #tpu.memory_space<semaphore_mem>> -> memref<1x!tpu.dma_semaphore, #tpu.memory_space<semaphore_mem>>
    %dma_start3A_368 = tpu.memref_squeeze %dma_start3A_367 : memref<1x!tpu.dma_semaphore, #tpu.memory_space<semaphore_mem>> -> memref<!tpu.dma_semaphore, #tpu.memory_space<semaphore_mem>>
    %dma_start3A_369 = arith.constant 0 : i32
    %dma_start3A_370 = tpu.memref_slice %arg8[%dma_start3A_361, %dma_start3A_369] : memref<4x8192xf32, #tpu.memory_space<vmem>> -> memref<1x8192xf32, #tpu.memory_space<vmem>>
    %dma_start3A_371 = tpu.memref_squeeze %dma_start3A_370 : memref<1x8192xf32, #tpu.memory_space<vmem>> -> memref<8192xf32, #tpu.memory_space<vmem>>
    %dma_start3A_372 = tpu.memref_slice %arg9[%add3A_360] : memref<655360xf32, #tpu.memory_space<vmem_shared>> -> memref<8192xf32, #tpu.memory_space<vmem_shared>>
    tpu.enqueue_dma source(%dma_start3A_372 : memref<8192xf32, #tpu.memory_space<vmem_shared>>) target(%dma_start3A_371 : memref<8192xf32, #tpu.memory_space<vmem>>) target_semaphore(%dma_start3A_368 : memref<!tpu.dma_semaphore, #tpu.memory_space<semaphore_mem>>)
    %add3A_373 = arith.constant 0 : i32
    %add3A_374 = arith.addi %mul3A_2, %add3A_373 : i32
    %get3A_375 = arith.index_cast %add3A_374 : i32 to index
    %get3A_376 = tpu.vector_load %arg6[%get3A_375] {strides = array<i32>} : memref<272xi32, #tpu.memory_space<vmem>>, vector<16xi32>,
    %slice3A_377 = vector.extract_strided_slice %get3A_376 {offsets = [0], sizes = [1], strides = [1]} : vector<16xi32> to vector<1xi32>
    %squeeze3A_378 = vector.extract %slice3A_377[0] : i32 from vector<1xi32>
    %mul3A_379 = arith.constant 65536 : i32
    %mul3A_380 = arith.muli %squeeze3A_378, %mul3A_379 : i32
    %add3A_381 = arith.constant 8192 : i32
    %add3A_382 = arith.addi %mul3A_380, %add3A_381 : i32
    %dma_start3A_383 = arith.constant 1 : i32
    %dma_start3A_384 = arith.constant 1 : i32
    %dma_start3A_385 = arith.constant 0 : i32
    %dma_start3A_386 = tpu.memref_slice %arg8[%dma_start3A_383, %dma_start3A_385] : memref<4x8192xf32, #tpu.memory_space<vmem>> -> memref<1x8192xf32, #tpu.memory_space<vmem>>
    %dma_start3A_387 = tpu.memref_squeeze %dma_start3A_386 : memref<1x8192xf32, #tpu.memory_space<vmem>> -> memref<8192xf32, #tpu.memory_space<vmem>>
    %dma_start3A_388 = tpu.memref_slice %arg9[%add3A_382] : memref<655360xf32, #tpu.memory_space<vmem_shared>> -> memref<8192xf32, #tpu.memory_space<vmem_shared>>
    %dma_start3A_389 = tpu.memref_slice %arg11[%dma_start3A_384] : memref<4x!tpu.dma_semaphore, #tpu.memory_space<semaphore_mem>> -> memref<1x!tpu.dma_semaphore, #tpu.memory_space<semaphore_mem>>
    %dma_start3A_390 = tpu.memref_squeeze %dma_start3A_389 : memref<1x!tpu.dma_semaphore, #tpu.memory_space<semaphore_mem>> -> memref<!tpu.dma_semaphore, #tpu.memory_space<semaphore_mem>>
    %dma_start3A_391 = arith.constant 0 : i32
    %dma_start3A_392 = tpu.memref_slice %arg8[%dma_start3A_383, %dma_start3A_391] : memref<4x8192xf32, #tpu.memory_space<vmem>> -> memref<1x8192xf32, #tpu.memory_space<vmem>>
    %dma_start3A_393 = tpu.memref_squeeze %dma_start3A_392 : memref<1x8192xf32, #tpu.memory_space<vmem>> -> memref<8192xf32, #tpu.memory_space<vmem>>
    %dma_start3A_394 = tpu.memref_slice %arg9[%add3A_382] : memref<655360xf32, #tpu.memory_space<vmem_shared>> -> memref<8192xf32, #tpu.memory_space<vmem_shared>>
    tpu.enqueue_dma source(%dma_start3A_394 : memref<8192xf32, #tpu.memory_space<vmem_shared>>) target(%dma_start3A_393 : memref<8192xf32, #tpu.memory_space<vmem>>) target_semaphore(%dma_start3A_390 : memref<!tpu.dma_semaphore, #tpu.memory_space<semaphore_mem>>)
    %add3A_395 = arith.constant 0 : i32
    %add3A_396 = arith.addi %mul3A_2, %add3A_395 : i32
    %get3A_397 = arith.index_cast %add3A_396 : i32 to index
    %get3A_398 = tpu.vector_load %arg6[%get3A_397] {strides = array<i32>} : memref<272xi32, #tpu.memory_space<vmem>>, vector<16xi32>,
    %slice3A_399 = vector.extract_strided_slice %get3A_398 {offsets = [0], sizes = [1], strides = [1]} : vector<16xi32> to vector<1xi32>
    %squeeze3A_400 = vector.extract %slice3A_399[0] : i32 from vector<1xi32>
    %mul3A_401 = arith.constant 65536 : i32
    %mul3A_402 = arith.muli %squeeze3A_400, %mul3A_401 : i32
    %add3A_403 = arith.constant 16384 : i32
    %add3A_404 = arith.addi %mul3A_402, %add3A_403 : i32
    %dma_start3A_405 = arith.constant 2 : i32
    %dma_start3A_406 = arith.constant 2 : i32
    %dma_start3A_407 = arith.constant 0 : i32
    %dma_start3A_408 = tpu.memref_slice %arg8[%dma_start3A_405, %dma_start3A_407] : memref<4x8192xf32, #tpu.memory_space<vmem>> -> memref<1x8192xf32, #tpu.memory_space<vmem>>
    %dma_start3A_409 = tpu.memref_squeeze %dma_start3A_408 : memref<1x8192xf32, #tpu.memory_space<vmem>> -> memref<8192xf32, #tpu.memory_space<vmem>>
    %dma_start3A_410 = tpu.memref_slice %arg9[%add3A_404] : memref<655360xf32, #tpu.memory_space<vmem_shared>> -> memref<8192xf32, #tpu.memory_space<vmem_shared>>
    %dma_start3A_411 = tpu.memref_slice %arg11[%dma_start3A_406] : memref<4x!tpu.dma_semaphore, #tpu.memory_space<semaphore_mem>> -> memref<1x!tpu.dma_semaphore, #tpu.memory_space<semaphore_mem>>
    %dma_start3A_412 = tpu.memref_squeeze %dma_start3A_411 : memref<1x!tpu.dma_semaphore, #tpu.memory_space<semaphore_mem>> -> memref<!tpu.dma_semaphore, #tpu.memory_space<semaphore_mem>>
    %dma_start3A_413 = arith.constant 0 : i32
    %dma_start3A_414 = tpu.memref_slice %arg8[%dma_start3A_405, %dma_start3A_413] : memref<4x8192xf32, #tpu.memory_space<vmem>> -> memref<1x8192xf32, #tpu.memory_space<vmem>>
    %dma_start3A_415 = tpu.memref_squeeze %dma_start3A_414 : memref<1x8192xf32, #tpu.memory_space<vmem>> -> memref<8192xf32, #tpu.memory_space<vmem>>
    %dma_start3A_416 = tpu.memref_slice %arg9[%add3A_404] : memref<655360xf32, #tpu.memory_space<vmem_shared>> -> memref<8192xf32, #tpu.memory_space<vmem_shared>>
    tpu.enqueue_dma source(%dma_start3A_416 : memref<8192xf32, #tpu.memory_space<vmem_shared>>) target(%dma_start3A_415 : memref<8192xf32, #tpu.memory_space<vmem>>) target_semaphore(%dma_start3A_412 : memref<!tpu.dma_semaphore, #tpu.memory_space<semaphore_mem>>)
    %scan3A = arith.constant 0 : i32
    %scan3A_417 = arith.constant 64 : i32
    %scan3A_418 = arith.addi %scan3A, %scan3A_417 : i32
    %scan3A_419 = arith.constant 1 : i32
    scf.for %scan3A_525 = %scan3A to %scan3A_418 step %scan3A_419  : i32 {
      %jit3A_526 = arith.constant 4 : i32
      %eq3A_527 = arith.constant 0 : i32
      %eq3A_528 = arith.cmpi eq, %jit3A_526, %eq3A_527 : i32
      %jit3A_529 = arith.constant 1 : i32
      %select_n3A_530 = arith.select %eq3A_528, %jit3A_529, %jit3A_526 : i32
      %rem3A_531 = arith.remsi %scan3A_525, %select_n3A_530 : i32
      %ne3A_532 = arith.constant 0 : i32
      %ne3A_533 = arith.cmpi ne, %rem3A_531, %ne3A_532 : i32
      %lt3A_534 = arith.constant 0 : i32
      %lt3A_535 = arith.cmpi slt, %rem3A_531, %lt3A_534 : i32
      %lt3A_536 = arith.constant 0 : i32
      %lt3A_537 = arith.cmpi slt, %select_n3A_530, %lt3A_536 : i32
      %ne3A_538 = arith.xori %lt3A_535, %lt3A_537 : i1
      %and3A_539 = arith.andi %ne3A_538, %ne3A_533 : i1
      %add3A_540 = arith.addi %rem3A_531, %select_n3A_530 : i32
      %select_n3A_541 = arith.select %and3A_539, %add3A_540, %rem3A_531 : i32
      %jit3A_542 = arith.constant 8 : i32
      %div3A_543 = arith.divsi %scan3A_525, %jit3A_542 : i32
      %sign3A_544 = arith.constant 0 : i32
      %sign3A_545 = arith.cmpi sgt, %scan3A_525, %sign3A_544 : i32
      %sign3A_546 = arith.extui %sign3A_545 : i1 to i32
      %sign3A_547 = arith.constant 0 : i32
      %sign3A_548 = arith.cmpi slt, %scan3A_525, %sign3A_547 : i32
      %sign3A_549 = arith.extui %sign3A_548 : i1 to i32
      %sign3A_550 = arith.subi %sign3A_546, %sign3A_549 : i32
      %sign3A_551 = arith.constant 0 : i32
      %sign3A_552 = arith.cmpi sgt, %jit3A_542, %sign3A_551 : i32
      %sign3A_553 = arith.extui %sign3A_552 : i1 to i32
      %sign3A_554 = arith.constant 0 : i32
      %sign3A_555 = arith.cmpi slt, %jit3A_542, %sign3A_554 : i32
      %sign3A_556 = arith.extui %sign3A_555 : i1 to i32
      %sign3A_557 = arith.subi %sign3A_553, %sign3A_556 : i32
      %ne3A_558 = arith.cmpi ne, %sign3A_550, %sign3A_557 : i32
      %rem3A_559 = arith.remsi %scan3A_525, %jit3A_542 : i32
      %ne3A_560 = arith.constant 0 : i32
      %ne3A_561 = arith.cmpi ne, %rem3A_559, %ne3A_560 : i32
      %and3A_562 = arith.andi %ne3A_558, %ne3A_561 : i1
      %sub3A_563 = arith.constant 1 : i32
      %sub3A_564 = arith.subi %div3A_543, %sub3A_563 : i32
      %select_n3A_565 = arith.select %and3A_562, %sub3A_564, %div3A_543 : i32
      %add3A_566 = arith.addi %mul3A_2, %select_n3A_565 : i32
      %jit3A_567 = arith.constant 8 : i32
      %eq3A_568 = arith.constant 0 : i32
      %eq3A_569 = arith.cmpi eq, %jit3A_567, %eq3A_568 : i32
      %jit3A_570 = arith.constant 1 : i32
      %select_n3A_571 = arith.select %eq3A_569, %jit3A_570, %jit3A_567 : i32
      %rem3A_572 = arith.remsi %scan3A_525, %select_n3A_571 : i32
      %ne3A_573 = arith.constant 0 : i32
      %ne3A_574 = arith.cmpi ne, %rem3A_572, %ne3A_573 : i32
      %lt3A_575 = arith.constant 0 : i32
      %lt3A_576 = arith.cmpi slt, %rem3A_572, %lt3A_575 : i32
      %lt3A_577 = arith.constant 0 : i32
      %lt3A_578 = arith.cmpi slt, %select_n3A_571, %lt3A_577 : i32
      %ne3A_579 = arith.xori %lt3A_576, %lt3A_578 : i1
      %and3A_580 = arith.andi %ne3A_579, %ne3A_574 : i1
      %add3A_581 = arith.addi %rem3A_572, %select_n3A_571 : i32
      %select_n3A_582 = arith.select %and3A_580, %add3A_581, %rem3A_572 : i32
      %mul3A_583 = arith.constant 2 : i32
      %mul3A_584 = arith.muli %select_n3A_582, %mul3A_583 : i32
      %dma_wait3A_585 = arith.constant 0 : i32
      %dma_wait3A_586 = arith.constant 0 : i32
      %dma_wait3A_587 = arith.constant 0 : i32
      %dma_wait3A_588 = tpu.memref_slice %arg7[%select_n3A_541, %dma_wait3A_585, %dma_wait3A_586, %dma_wait3A_587] : memref<4x2x16x256xf32, #tpu.memory_space<vmem>> -> memref<1x2x16x256xf32, #tpu.memory_space<vmem>>
      %dma_wait3A_589 = tpu.memref_squeeze %dma_wait3A_588 : memref<1x2x16x256xf32, #tpu.memory_space<vmem>> -> memref<2x16x256xf32, #tpu.memory_space<vmem>>
      %dma_wait3A_590 = arith.constant 0 : i32
      %dma_wait3A_591 = arith.constant 0 : i32
      %dma_wait3A_592 = tpu.memref_slice %arg2[%add3A_566, %mul3A_584, %dma_wait3A_590, %dma_wait3A_591] : memref<256x16x16x256xf32, #tpu.memory_space<hbm>> -> memref<1x2x16x256xf32, #tpu.memory_space<hbm>>
      %dma_wait3A_593 = tpu.memref_squeeze %dma_wait3A_592 : memref<1x2x16x256xf32, #tpu.memory_space<hbm>> -> memref<2x16x256xf32, #tpu.memory_space<hbm>>
      %dma_wait3A_594 = tpu.memref_slice %arg10[%select_n3A_541] : memref<4x!tpu.dma_semaphore, #tpu.memory_space<semaphore_mem>> -> memref<1x!tpu.dma_semaphore, #tpu.memory_space<semaphore_mem>>
      %dma_wait3A_595 = tpu.memref_squeeze %dma_wait3A_594 : memref<1x!tpu.dma_semaphore, #tpu.memory_space<semaphore_mem>> -> memref<!tpu.dma_semaphore, #tpu.memory_space<semaphore_mem>>
      %dma_wait3A_596 = arith.constant 0 : i32
      %dma_wait3A_597 = arith.constant 0 : i32
      %dma_wait3A_598 = arith.constant 0 : i32
      %dma_wait3A_599 = tpu.memref_slice %arg7[%select_n3A_541, %dma_wait3A_596, %dma_wait3A_597, %dma_wait3A_598] : memref<4x2x16x256xf32, #tpu.memory_space<vmem>> -> memref<1x2x16x256xf32, #tpu.memory_space<vmem>>
      %dma_wait3A_600 = tpu.memref_squeeze %dma_wait3A_599 : memref<1x2x16x256xf32, #tpu.memory_space<vmem>> -> memref<2x16x256xf32, #tpu.memory_space<vmem>>
      %dma_wait3A_601 = arith.constant 0 : i32
      %dma_wait3A_602 = arith.constant 0 : i32
      %dma_wait3A_603 = tpu.memref_slice %arg2[%add3A_566, %mul3A_584, %dma_wait3A_601, %dma_wait3A_602] : memref<256x16x16x256xf32, #tpu.memory_space<hbm>> -> memref<1x2x16x256xf32, #tpu.memory_space<hbm>>
      %dma_wait3A_604 = tpu.memref_squeeze %dma_wait3A_603 : memref<1x2x16x256xf32, #tpu.memory_space<hbm>> -> memref<2x16x256xf32, #tpu.memory_space<hbm>>
      tpu.wait_dma2 semaphore(%dma_wait3A_595 : memref<!tpu.dma_semaphore, #tpu.memory_space<semaphore_mem>>) src(%dma_wait3A_604 : memref<2x16x256xf32, #tpu.memory_space<hbm>>) dst(%dma_wait3A_600 : memref<2x16x256xf32, #tpu.memory_space<vmem>>)
      %jit3A_605 = arith.constant 8 : i32
      %div3A_606 = arith.divsi %scan3A_525, %jit3A_605 : i32
      %sign3A_607 = arith.constant 0 : i32
      %sign3A_608 = arith.cmpi sgt, %scan3A_525, %sign3A_607 : i32
      %sign3A_609 = arith.extui %sign3A_608 : i1 to i32
      %sign3A_610 = arith.constant 0 : i32
      %sign3A_611 = arith.cmpi slt, %scan3A_525, %sign3A_610 : i32
      %sign3A_612 = arith.extui %sign3A_611 : i1 to i32
      %sign3A_613 = arith.subi %sign3A_609, %sign3A_612 : i32
      %sign3A_614 = arith.constant 0 : i32
      %sign3A_615 = arith.cmpi sgt, %jit3A_605, %sign3A_614 : i32
      %sign3A_616 = arith.extui %sign3A_615 : i1 to i32
      %sign3A_617 = arith.constant 0 : i32
      %sign3A_618 = arith.cmpi slt, %jit3A_605, %sign3A_617 : i32
      %sign3A_619 = arith.extui %sign3A_618 : i1 to i32
      %sign3A_620 = arith.subi %sign3A_616, %sign3A_619 : i32
      %ne3A_621 = arith.cmpi ne, %sign3A_613, %sign3A_620 : i32
      %rem3A_622 = arith.remsi %scan3A_525, %jit3A_605 : i32
      %ne3A_623 = arith.constant 0 : i32
      %ne3A_624 = arith.cmpi ne, %rem3A_622, %ne3A_623 : i32
      %and3A_625 = arith.andi %ne3A_621, %ne3A_624 : i1
      %sub3A_626 = arith.constant 1 : i32
      %sub3A_627 = arith.subi %div3A_606, %sub3A_626 : i32
      %select_n3A_628 = arith.select %and3A_625, %sub3A_627, %div3A_606 : i32
      %add3A_629 = arith.addi %mul3A_2, %select_n3A_628 : i32
      %get3A_630 = arith.index_cast %add3A_629 : i32 to index
      %get3A_631 = tpu.vector_load %arg6[%get3A_630] {strides = array<i32>} : memref<272xi32, #tpu.memory_space<vmem>>, vector<16xi32>,
      %slice3A_632 = vector.extract_strided_slice %get3A_631 {offsets = [0], sizes = [1], strides = [1]} : vector<16xi32> to vector<1xi32>
      %squeeze3A_633 = vector.extract %slice3A_632[0] : i32 from vector<1xi32>
      %mul3A_634 = arith.constant 65536 : i32
      %mul3A_635 = arith.muli %squeeze3A_633, %mul3A_634 : i32
      %jit3A_636 = arith.constant 8 : i32
      %eq3A_637 = arith.constant 0 : i32
      %eq3A_638 = arith.cmpi eq, %jit3A_636, %eq3A_637 : i32
      %jit3A_639 = arith.constant 1 : i32
      %select_n3A_640 = arith.select %eq3A_638, %jit3A_639, %jit3A_636 : i32
      %rem3A_641 = arith.remsi %scan3A_525, %select_n3A_640 : i32
      %ne3A_642 = arith.constant 0 : i32
      %ne3A_643 = arith.cmpi ne, %rem3A_641, %ne3A_642 : i32
      %lt3A_644 = arith.constant 0 : i32
      %lt3A_645 = arith.cmpi slt, %rem3A_641, %lt3A_644 : i32
      %lt3A_646 = arith.constant 0 : i32
      %lt3A_647 = arith.cmpi slt, %select_n3A_640, %lt3A_646 : i32
      %ne3A_648 = arith.xori %lt3A_645, %lt3A_647 : i1
      %and3A_649 = arith.andi %ne3A_648, %ne3A_643 : i1
      %add3A_650 = arith.addi %rem3A_641, %select_n3A_640 : i32
      %select_n3A_651 = arith.select %and3A_649, %add3A_650, %rem3A_641 : i32
      %mul3A_652 = arith.constant 8192 : i32
      %mul3A_653 = arith.muli %select_n3A_651, %mul3A_652 : i32
      %add3A_654 = arith.addi %mul3A_635, %mul3A_653 : i32
      %dma_wait3A_655 = arith.constant 0 : i32
      %dma_wait3A_656 = tpu.memref_slice %arg8[%select_n3A_541, %dma_wait3A_655] : memref<4x8192xf32, #tpu.memory_space<vmem>> -> memref<1x8192xf32, #tpu.memory_space<vmem>>
      %dma_wait3A_657 = tpu.memref_squeeze %dma_wait3A_656 : memref<1x8192xf32, #tpu.memory_space<vmem>> -> memref<8192xf32, #tpu.memory_space<vmem>>
      %dma_wait3A_658 = tpu.memref_slice %arg9[%add3A_654] : memref<655360xf32, #tpu.memory_space<vmem_shared>> -> memref<8192xf32, #tpu.memory_space<vmem_shared>>
      %dma_wait3A_659 = tpu.memref_slice %arg11[%select_n3A_541] : memref<4x!tpu.dma_semaphore, #tpu.memory_space<semaphore_mem>> -> memref<1x!tpu.dma_semaphore, #tpu.memory_space<semaphore_mem>>
      %dma_wait3A_660 = tpu.memref_squeeze %dma_wait3A_659 : memref<1x!tpu.dma_semaphore, #tpu.memory_space<semaphore_mem>> -> memref<!tpu.dma_semaphore, #tpu.memory_space<semaphore_mem>>
      %dma_wait3A_661 = arith.constant 0 : i32
      %dma_wait3A_662 = tpu.memref_slice %arg8[%select_n3A_541, %dma_wait3A_661] : memref<4x8192xf32, #tpu.memory_space<vmem>> -> memref<1x8192xf32, #tpu.memory_space<vmem>>
      %dma_wait3A_663 = tpu.memref_squeeze %dma_wait3A_662 : memref<1x8192xf32, #tpu.memory_space<vmem>> -> memref<8192xf32, #tpu.memory_space<vmem>>
      %dma_wait3A_664 = tpu.memref_slice %arg9[%add3A_654] : memref<655360xf32, #tpu.memory_space<vmem_shared>> -> memref<8192xf32, #tpu.memory_space<vmem_shared>>
      tpu.wait_dma2 semaphore(%dma_wait3A_660 : memref<!tpu.dma_semaphore, #tpu.memory_space<semaphore_mem>>) src(%dma_wait3A_664 : memref<8192xf32, #tpu.memory_space<vmem_shared>>) dst(%dma_wait3A_663 : memref<8192xf32, #tpu.memory_space<vmem>>)
      %parallel_loop3A = arith.constant 0 : i32
      %parallel_loop3A_665 = arith.constant 16 : i32
      %parallel_loop3A_666 = arith.constant 1 : i32
      scf.for %parallel_loop3A_747 = %parallel_loop3A to %parallel_loop3A_665 step %parallel_loop3A_666  : i32 {
        %parallel_loop3A_748 = arith.constant 0 : i32
        %parallel_loop3A_749 = arith.addi %parallel_loop3A_748, %parallel_loop3A_747 : i32
        %parallel_loop3A_750 = arith.constant 256 : i32
        %parallel_loop3A_751 = arith.muli %parallel_loop3A_749, %parallel_loop3A_750 : i32
        %parallel_loop3A_752 = arith.constant 0 : i32
        %parallel_loop3A_753 = arith.addi %parallel_loop3A_751, %parallel_loop3A_752 : i32
        %parallel_loop3A_754 = arith.index_cast %select_n3A_541 : i32 to index
        %parallel_loop3A_755 = arith.index_cast %parallel_loop3A_753 : i32 to index
        %parallel_loop3A_756 = tpu.vector_load %arg8[%parallel_loop3A_754, %parallel_loop3A_755] {strides = array<i32>} : memref<4x8192xf32, #tpu.memory_space<vmem>>, vector<16xf32>,
        %parallel_loop3A_757 = arith.constant 16 : i32
        %parallel_loop3A_758 = arith.addi %parallel_loop3A_751, %parallel_loop3A_757 : i32
        %parallel_loop3A_759 = arith.index_cast %select_n3A_541 : i32 to index
        %parallel_loop3A_760 = arith.index_cast %parallel_loop3A_758 : i32 to index
        %parallel_loop3A_761 = tpu.vector_load %arg8[%parallel_loop3A_759, %parallel_loop3A_760] {strides = array<i32>} : memref<4x8192xf32, #tpu.memory_space<vmem>>, vector<16xf32>,
        %parallel_loop3A_762 = arith.constant 32 : i32
        %parallel_loop3A_763 = arith.addi %parallel_loop3A_751, %parallel_loop3A_762 : i32
        %parallel_loop3A_764 = arith.index_cast %select_n3A_541 : i32 to index
        %parallel_loop3A_765 = arith.index_cast %parallel_loop3A_763 : i32 to index
        %parallel_loop3A_766 = tpu.vector_load %arg8[%parallel_loop3A_764, %parallel_loop3A_765] {strides = array<i32>} : memref<4x8192xf32, #tpu.memory_space<vmem>>, vector<16xf32>,
        %parallel_loop3A_767 = arith.constant 48 : i32
        %parallel_loop3A_768 = arith.addi %parallel_loop3A_751, %parallel_loop3A_767 : i32
        %parallel_loop3A_769 = arith.index_cast %select_n3A_541 : i32 to index
        %parallel_loop3A_770 = arith.index_cast %parallel_loop3A_768 : i32 to index
        %parallel_loop3A_771 = tpu.vector_load %arg8[%parallel_loop3A_769, %parallel_loop3A_770] {strides = array<i32>} : memref<4x8192xf32, #tpu.memory_space<vmem>>, vector<16xf32>,
        %parallel_loop3A_772 = arith.constant 64 : i32
        %parallel_loop3A_773 = arith.addi %parallel_loop3A_751, %parallel_loop3A_772 : i32
        %parallel_loop3A_774 = arith.index_cast %select_n3A_541 : i32 to index
        %parallel_loop3A_775 = arith.index_cast %parallel_loop3A_773 : i32 to index
        %parallel_loop3A_776 = tpu.vector_load %arg8[%parallel_loop3A_774, %parallel_loop3A_775] {strides = array<i32>} : memref<4x8192xf32, #tpu.memory_space<vmem>>, vector<16xf32>,
        %parallel_loop3A_777 = arith.constant 80 : i32
        %parallel_loop3A_778 = arith.addi %parallel_loop3A_751, %parallel_loop3A_777 : i32
        %parallel_loop3A_779 = arith.index_cast %select_n3A_541 : i32 to index
        %parallel_loop3A_780 = arith.index_cast %parallel_loop3A_778 : i32 to index
        %parallel_loop3A_781 = tpu.vector_load %arg8[%parallel_loop3A_779, %parallel_loop3A_780] {strides = array<i32>} : memref<4x8192xf32, #tpu.memory_space<vmem>>, vector<16xf32>,
        %parallel_loop3A_782 = arith.constant 96 : i32
        %parallel_loop3A_783 = arith.addi %parallel_loop3A_751, %parallel_loop3A_782 : i32
        %parallel_loop3A_784 = arith.index_cast %select_n3A_541 : i32 to index
        %parallel_loop3A_785 = arith.index_cast %parallel_loop3A_783 : i32 to index
        %parallel_loop3A_786 = tpu.vector_load %arg8[%parallel_loop3A_784, %parallel_loop3A_785] {strides = array<i32>} : memref<4x8192xf32, #tpu.memory_space<vmem>>, vector<16xf32>,
        %parallel_loop3A_787 = arith.constant 112 : i32
        %parallel_loop3A_788 = arith.addi %parallel_loop3A_751, %parallel_loop3A_787 : i32
        %parallel_loop3A_789 = arith.index_cast %select_n3A_541 : i32 to index
        %parallel_loop3A_790 = arith.index_cast %parallel_loop3A_788 : i32 to index
        %parallel_loop3A_791 = tpu.vector_load %arg8[%parallel_loop3A_789, %parallel_loop3A_790] {strides = array<i32>} : memref<4x8192xf32, #tpu.memory_space<vmem>>, vector<16xf32>,
        %parallel_loop3A_792 = arith.constant 128 : i32
        %parallel_loop3A_793 = arith.addi %parallel_loop3A_751, %parallel_loop3A_792 : i32
        %parallel_loop3A_794 = arith.index_cast %select_n3A_541 : i32 to index
        %parallel_loop3A_795 = arith.index_cast %parallel_loop3A_793 : i32 to index
        %parallel_loop3A_796 = tpu.vector_load %arg8[%parallel_loop3A_794, %parallel_loop3A_795] {strides = array<i32>} : memref<4x8192xf32, #tpu.memory_space<vmem>>, vector<16xf32>,
        %parallel_loop3A_797 = arith.constant 144 : i32
        %parallel_loop3A_798 = arith.addi %parallel_loop3A_751, %parallel_loop3A_797 : i32
        %parallel_loop3A_799 = arith.index_cast %select_n3A_541 : i32 to index
        %parallel_loop3A_800 = arith.index_cast %parallel_loop3A_798 : i32 to index
        %parallel_loop3A_801 = tpu.vector_load %arg8[%parallel_loop3A_799, %parallel_loop3A_800] {strides = array<i32>} : memref<4x8192xf32, #tpu.memory_space<vmem>>, vector<16xf32>,
        %parallel_loop3A_802 = arith.constant 160 : i32
        %parallel_loop3A_803 = arith.addi %parallel_loop3A_751, %parallel_loop3A_802 : i32
        %parallel_loop3A_804 = arith.index_cast %select_n3A_541 : i32 to index
        %parallel_loop3A_805 = arith.index_cast %parallel_loop3A_803 : i32 to index
        %parallel_loop3A_806 = tpu.vector_load %arg8[%parallel_loop3A_804, %parallel_loop3A_805] {strides = array<i32>} : memref<4x8192xf32, #tpu.memory_space<vmem>>, vector<16xf32>,
        %parallel_loop3A_807 = arith.constant 176 : i32
        %parallel_loop3A_808 = arith.addi %parallel_loop3A_751, %parallel_loop3A_807 : i32
        %parallel_loop3A_809 = arith.index_cast %select_n3A_541 : i32 to index
        %parallel_loop3A_810 = arith.index_cast %parallel_loop3A_808 : i32 to index
        %parallel_loop3A_811 = tpu.vector_load %arg8[%parallel_loop3A_809, %parallel_loop3A_810] {strides = array<i32>} : memref<4x8192xf32, #tpu.memory_space<vmem>>, vector<16xf32>,
        %parallel_loop3A_812 = arith.constant 192 : i32
        %parallel_loop3A_813 = arith.addi %parallel_loop3A_751, %parallel_loop3A_812 : i32
        %parallel_loop3A_814 = arith.index_cast %select_n3A_541 : i32 to index
        %parallel_loop3A_815 = arith.index_cast %parallel_loop3A_813 : i32 to index
        %parallel_loop3A_816 = tpu.vector_load %arg8[%parallel_loop3A_814, %parallel_loop3A_815] {strides = array<i32>} : memref<4x8192xf32, #tpu.memory_space<vmem>>, vector<16xf32>,
        %parallel_loop3A_817 = arith.constant 208 : i32
        %parallel_loop3A_818 = arith.addi %parallel_loop3A_751, %parallel_loop3A_817 : i32
        %parallel_loop3A_819 = arith.index_cast %select_n3A_541 : i32 to index
        %parallel_loop3A_820 = arith.index_cast %parallel_loop3A_818 : i32 to index
        %parallel_loop3A_821 = tpu.vector_load %arg8[%parallel_loop3A_819, %parallel_loop3A_820] {strides = array<i32>} : memref<4x8192xf32, #tpu.memory_space<vmem>>, vector<16xf32>,
        %parallel_loop3A_822 = arith.constant 224 : i32
        %parallel_loop3A_823 = arith.addi %parallel_loop3A_751, %parallel_loop3A_822 : i32
        %parallel_loop3A_824 = arith.index_cast %select_n3A_541 : i32 to index
        %parallel_loop3A_825 = arith.index_cast %parallel_loop3A_823 : i32 to index
        %parallel_loop3A_826 = tpu.vector_load %arg8[%parallel_loop3A_824, %parallel_loop3A_825] {strides = array<i32>} : memref<4x8192xf32, #tpu.memory_space<vmem>>, vector<16xf32>,
        %parallel_loop3A_827 = arith.constant 240 : i32
        %parallel_loop3A_828 = arith.addi %parallel_loop3A_751, %parallel_loop3A_827 : i32
        %parallel_loop3A_829 = arith.index_cast %select_n3A_541 : i32 to index
        %parallel_loop3A_830 = arith.index_cast %parallel_loop3A_828 : i32 to index
        %parallel_loop3A_831 = tpu.vector_load %arg8[%parallel_loop3A_829, %parallel_loop3A_830] {strides = array<i32>} : memref<4x8192xf32, #tpu.memory_space<vmem>>, vector<16xf32>,
        %parallel_loop3A_832 = arith.constant 0 : i32
        %parallel_loop3A_833 = arith.index_cast %select_n3A_541 : i32 to index
        %parallel_loop3A_834 = arith.index_cast %parallel_loop3A_832 : i32 to index
        %parallel_loop3A_835 = arith.index_cast %parallel_loop3A_747 : i32 to index
        %parallel_loop3A_836 = arith.constant 0 : index
        %parallel_loop3A_837 = tpu.vector_load %arg7[%parallel_loop3A_833, %parallel_loop3A_834, %parallel_loop3A_835, %parallel_loop3A_836] {strides = array<i32>} : memref<4x2x16x256xf32, #tpu.memory_space<vmem>>, vector<16xf32>,
        tpu.vector_store %arg7[%parallel_loop3A_833, %parallel_loop3A_834, %parallel_loop3A_835, %parallel_loop3A_836], %parallel_loop3A_756 {add = true, strides = array<i32>} : memref<4x2x16x256xf32, #tpu.memory_space<vmem>>, vector<16xf32>,
        %parallel_loop3A_838 = arith.constant 0 : i32
        %parallel_loop3A_839 = arith.index_cast %select_n3A_541 : i32 to index
        %parallel_loop3A_840 = arith.index_cast %parallel_loop3A_838 : i32 to index
        %parallel_loop3A_841 = arith.index_cast %parallel_loop3A_747 : i32 to index
        %parallel_loop3A_842 = arith.constant 16 : index
        %parallel_loop3A_843 = tpu.vector_load %arg7[%parallel_loop3A_839, %parallel_loop3A_840, %parallel_loop3A_841, %parallel_loop3A_842] {strides = array<i32>} : memref<4x2x16x256xf32, #tpu.memory_space<vmem>>, vector<16xf32>,
        tpu.vector_store %arg7[%parallel_loop3A_839, %parallel_loop3A_840, %parallel_loop3A_841, %parallel_loop3A_842], %parallel_loop3A_761 {add = true, strides = array<i32>} : memref<4x2x16x256xf32, #tpu.memory_space<vmem>>, vector<16xf32>,
        %parallel_loop3A_844 = arith.constant 0 : i32
        %parallel_loop3A_845 = arith.index_cast %select_n3A_541 : i32 to index
        %parallel_loop3A_846 = arith.index_cast %parallel_loop3A_844 : i32 to index
        %parallel_loop3A_847 = arith.index_cast %parallel_loop3A_747 : i32 to index
        %parallel_loop3A_848 = arith.constant 32 : index
        %parallel_loop3A_849 = tpu.vector_load %arg7[%parallel_loop3A_845, %parallel_loop3A_846, %parallel_loop3A_847, %parallel_loop3A_848] {strides = array<i32>} : memref<4x2x16x256xf32, #tpu.memory_space<vmem>>, vector<16xf32>,
        tpu.vector_store %arg7[%parallel_loop3A_845, %parallel_loop3A_846, %parallel_loop3A_847, %parallel_loop3A_848], %parallel_loop3A_766 {add = true, strides = array<i32>} : memref<4x2x16x256xf32, #tpu.memory_space<vmem>>, vector<16xf32>,
        %parallel_loop3A_850 = arith.constant 0 : i32
        %parallel_loop3A_851 = arith.index_cast %select_n3A_541 : i32 to index
        %parallel_loop3A_852 = arith.index_cast %parallel_loop3A_850 : i32 to index
        %parallel_loop3A_853 = arith.index_cast %parallel_loop3A_747 : i32 to index
        %parallel_loop3A_854 = arith.constant 48 : index
        %parallel_loop3A_855 = tpu.vector_load %arg7[%parallel_loop3A_851, %parallel_loop3A_852, %parallel_loop3A_853, %parallel_loop3A_854] {strides = array<i32>} : memref<4x2x16x256xf32, #tpu.memory_space<vmem>>, vector<16xf32>,
        tpu.vector_store %arg7[%parallel_loop3A_851, %parallel_loop3A_852, %parallel_loop3A_853, %parallel_loop3A_854], %parallel_loop3A_771 {add = true, strides = array<i32>} : memref<4x2x16x256xf32, #tpu.memory_space<vmem>>, vector<16xf32>,
        %parallel_loop3A_856 = arith.constant 0 : i32
        %parallel_loop3A_857 = arith.index_cast %select_n3A_541 : i32 to index
        %parallel_loop3A_858 = arith.index_cast %parallel_loop3A_856 : i32 to index
        %parallel_loop3A_859 = arith.index_cast %parallel_loop3A_747 : i32 to index
        %parallel_loop3A_860 = arith.constant 64 : index
        %parallel_loop3A_861 = tpu.vector_load %arg7[%parallel_loop3A_857, %parallel_loop3A_858, %parallel_loop3A_859, %parallel_loop3A_860] {strides = array<i32>} : memref<4x2x16x256xf32, #tpu.memory_space<vmem>>, vector<16xf32>,
        tpu.vector_store %arg7[%parallel_loop3A_857, %parallel_loop3A_858, %parallel_loop3A_859, %parallel_loop3A_860], %parallel_loop3A_776 {add = true, strides = array<i32>} : memref<4x2x16x256xf32, #tpu.memory_space<vmem>>, vector<16xf32>,
        %parallel_loop3A_862 = arith.constant 0 : i32
        %parallel_loop3A_863 = arith.index_cast %select_n3A_541 : i32 to index
        %parallel_loop3A_864 = arith.index_cast %parallel_loop3A_862 : i32 to index
        %parallel_loop3A_865 = arith.index_cast %parallel_loop3A_747 : i32 to index
        %parallel_loop3A_866 = arith.constant 80 : index
        %parallel_loop3A_867 = tpu.vector_load %arg7[%parallel_loop3A_863, %parallel_loop3A_864, %parallel_loop3A_865, %parallel_loop3A_866] {strides = array<i32>} : memref<4x2x16x256xf32, #tpu.memory_space<vmem>>, vector<16xf32>,
        tpu.vector_store %arg7[%parallel_loop3A_863, %parallel_loop3A_864, %parallel_loop3A_865, %parallel_loop3A_866], %parallel_loop3A_781 {add = true, strides = array<i32>} : memref<4x2x16x256xf32, #tpu.memory_space<vmem>>, vector<16xf32>,
        %parallel_loop3A_868 = arith.constant 0 : i32
        %parallel_loop3A_869 = arith.index_cast %select_n3A_541 : i32 to index
        %parallel_loop3A_870 = arith.index_cast %parallel_loop3A_868 : i32 to index
        %parallel_loop3A_871 = arith.index_cast %parallel_loop3A_747 : i32 to index
        %parallel_loop3A_872 = arith.constant 96 : index
        %parallel_loop3A_873 = tpu.vector_load %arg7[%parallel_loop3A_869, %parallel_loop3A_870, %parallel_loop3A_871, %parallel_loop3A_872] {strides = array<i32>} : memref<4x2x16x256xf32, #tpu.memory_space<vmem>>, vector<16xf32>,
        tpu.vector_store %arg7[%parallel_loop3A_869, %parallel_loop3A_870, %parallel_loop3A_871, %parallel_loop3A_872], %parallel_loop3A_786 {add = true, strides = array<i32>} : memref<4x2x16x256xf32, #tpu.memory_space<vmem>>, vector<16xf32>,
        %parallel_loop3A_874 = arith.constant 0 : i32
        %parallel_loop3A_875 = arith.index_cast %select_n3A_541 : i32 to index
        %parallel_loop3A_876 = arith.index_cast %parallel_loop3A_874 : i32 to index
        %parallel_loop3A_877 = arith.index_cast %parallel_loop3A_747 : i32 to index
        %parallel_loop3A_878 = arith.constant 112 : index
        %parallel_loop3A_879 = tpu.vector_load %arg7[%parallel_loop3A_875, %parallel_loop3A_876, %parallel_loop3A_877, %parallel_loop3A_878] {strides = array<i32>} : memref<4x2x16x256xf32, #tpu.memory_space<vmem>>, vector<16xf32>,
        tpu.vector_store %arg7[%parallel_loop3A_875, %parallel_loop3A_876, %parallel_loop3A_877, %parallel_loop3A_878], %parallel_loop3A_791 {add = true, strides = array<i32>} : memref<4x2x16x256xf32, #tpu.memory_space<vmem>>, vector<16xf32>,
        %parallel_loop3A_880 = arith.constant 0 : i32
        %parallel_loop3A_881 = arith.index_cast %select_n3A_541 : i32 to index
        %parallel_loop3A_882 = arith.index_cast %parallel_loop3A_880 : i32 to index
        %parallel_loop3A_883 = arith.index_cast %parallel_loop3A_747 : i32 to index
        %parallel_loop3A_884 = arith.constant 128 : index
        %parallel_loop3A_885 = tpu.vector_load %arg7[%parallel_loop3A_881, %parallel_loop3A_882, %parallel_loop3A_883, %parallel_loop3A_884] {strides = array<i32>} : memref<4x2x16x256xf32, #tpu.memory_space<vmem>>, vector<16xf32>,
        tpu.vector_store %arg7[%parallel_loop3A_881, %parallel_loop3A_882, %parallel_loop3A_883, %parallel_loop3A_884], %parallel_loop3A_796 {add = true, strides = array<i32>} : memref<4x2x16x256xf32, #tpu.memory_space<vmem>>, vector<16xf32>,
        %parallel_loop3A_886 = arith.constant 0 : i32
        %parallel_loop3A_887 = arith.index_cast %select_n3A_541 : i32 to index
        %parallel_loop3A_888 = arith.index_cast %parallel_loop3A_886 : i32 to index
        %parallel_loop3A_889 = arith.index_cast %parallel_loop3A_747 : i32 to index
        %parallel_loop3A_890 = arith.constant 144 : index
        %parallel_loop3A_891 = tpu.vector_load %arg7[%parallel_loop3A_887, %parallel_loop3A_888, %parallel_loop3A_889, %parallel_loop3A_890] {strides = array<i32>} : memref<4x2x16x256xf32, #tpu.memory_space<vmem>>, vector<16xf32>,
        tpu.vector_store %arg7[%parallel_loop3A_887, %parallel_loop3A_888, %parallel_loop3A_889, %parallel_loop3A_890], %parallel_loop3A_801 {add = true, strides = array<i32>} : memref<4x2x16x256xf32, #tpu.memory_space<vmem>>, vector<16xf32>,
        %parallel_loop3A_892 = arith.constant 0 : i32
        %parallel_loop3A_893 = arith.index_cast %select_n3A_541 : i32 to index
        %parallel_loop3A_894 = arith.index_cast %parallel_loop3A_892 : i32 to index
        %parallel_loop3A_895 = arith.index_cast %parallel_loop3A_747 : i32 to index
        %parallel_loop3A_896 = arith.constant 160 : index
        %parallel_loop3A_897 = tpu.vector_load %arg7[%parallel_loop3A_893, %parallel_loop3A_894, %parallel_loop3A_895, %parallel_loop3A_896] {strides = array<i32>} : memref<4x2x16x256xf32, #tpu.memory_space<vmem>>, vector<16xf32>,
        tpu.vector_store %arg7[%parallel_loop3A_893, %parallel_loop3A_894, %parallel_loop3A_895, %parallel_loop3A_896], %parallel_loop3A_806 {add = true, strides = array<i32>} : memref<4x2x16x256xf32, #tpu.memory_space<vmem>>, vector<16xf32>,
        %parallel_loop3A_898 = arith.constant 0 : i32
        %parallel_loop3A_899 = arith.index_cast %select_n3A_541 : i32 to index
        %parallel_loop3A_900 = arith.index_cast %parallel_loop3A_898 : i32 to index
        %parallel_loop3A_901 = arith.index_cast %parallel_loop3A_747 : i32 to index
        %parallel_loop3A_902 = arith.constant 176 : index
        %parallel_loop3A_903 = tpu.vector_load %arg7[%parallel_loop3A_899, %parallel_loop3A_900, %parallel_loop3A_901, %parallel_loop3A_902] {strides = array<i32>} : memref<4x2x16x256xf32, #tpu.memory_space<vmem>>, vector<16xf32>,
        tpu.vector_store %arg7[%parallel_loop3A_899, %parallel_loop3A_900, %parallel_loop3A_901, %parallel_loop3A_902], %parallel_loop3A_811 {add = true, strides = array<i32>} : memref<4x2x16x256xf32, #tpu.memory_space<vmem>>, vector<16xf32>,
        %parallel_loop3A_904 = arith.constant 0 : i32
        %parallel_loop3A_905 = arith.index_cast %select_n3A_541 : i32 to index
        %parallel_loop3A_906 = arith.index_cast %parallel_loop3A_904 : i32 to index
        %parallel_loop3A_907 = arith.index_cast %parallel_loop3A_747 : i32 to index
        %parallel_loop3A_908 = arith.constant 192 : index
        %parallel_loop3A_909 = tpu.vector_load %arg7[%parallel_loop3A_905, %parallel_loop3A_906, %parallel_loop3A_907, %parallel_loop3A_908] {strides = array<i32>} : memref<4x2x16x256xf32, #tpu.memory_space<vmem>>, vector<16xf32>,
        tpu.vector_store %arg7[%parallel_loop3A_905, %parallel_loop3A_906, %parallel_loop3A_907, %parallel_loop3A_908], %parallel_loop3A_816 {add = true, strides = array<i32>} : memref<4x2x16x256xf32, #tpu.memory_space<vmem>>, vector<16xf32>,
        %parallel_loop3A_910 = arith.constant 0 : i32
        %parallel_loop3A_911 = arith.index_cast %select_n3A_541 : i32 to index
        %parallel_loop3A_912 = arith.index_cast %parallel_loop3A_910 : i32 to index
        %parallel_loop3A_913 = arith.index_cast %parallel_loop3A_747 : i32 to index
        %parallel_loop3A_914 = arith.constant 208 : index
        %parallel_loop3A_915 = tpu.vector_load %arg7[%parallel_loop3A_911, %parallel_loop3A_912, %parallel_loop3A_913, %parallel_loop3A_914] {strides = array<i32>} : memref<4x2x16x256xf32, #tpu.memory_space<vmem>>, vector<16xf32>,
        tpu.vector_store %arg7[%parallel_loop3A_911, %parallel_loop3A_912, %parallel_loop3A_913, %parallel_loop3A_914], %parallel_loop3A_821 {add = true, strides = array<i32>} : memref<4x2x16x256xf32, #tpu.memory_space<vmem>>, vector<16xf32>,
        %parallel_loop3A_916 = arith.constant 0 : i32
        %parallel_loop3A_917 = arith.index_cast %select_n3A_541 : i32 to index
        %parallel_loop3A_918 = arith.index_cast %parallel_loop3A_916 : i32 to index
        %parallel_loop3A_919 = arith.index_cast %parallel_loop3A_747 : i32 to index
        %parallel_loop3A_920 = arith.constant 224 : index
        %parallel_loop3A_921 = tpu.vector_load %arg7[%parallel_loop3A_917, %parallel_loop3A_918, %parallel_loop3A_919, %parallel_loop3A_920] {strides = array<i32>} : memref<4x2x16x256xf32, #tpu.memory_space<vmem>>, vector<16xf32>,
        tpu.vector_store %arg7[%parallel_loop3A_917, %parallel_loop3A_918, %parallel_loop3A_919, %parallel_loop3A_920], %parallel_loop3A_826 {add = true, strides = array<i32>} : memref<4x2x16x256xf32, #tpu.memory_space<vmem>>, vector<16xf32>,
        %parallel_loop3A_922 = arith.constant 0 : i32
        %parallel_loop3A_923 = arith.index_cast %select_n3A_541 : i32 to index
        %parallel_loop3A_924 = arith.index_cast %parallel_loop3A_922 : i32 to index
        %parallel_loop3A_925 = arith.index_cast %parallel_loop3A_747 : i32 to index
        %parallel_loop3A_926 = arith.constant 240 : index
        %parallel_loop3A_927 = tpu.vector_load %arg7[%parallel_loop3A_923, %parallel_loop3A_924, %parallel_loop3A_925, %parallel_loop3A_926] {strides = array<i32>} : memref<4x2x16x256xf32, #tpu.memory_space<vmem>>, vector<16xf32>,
        tpu.vector_store %arg7[%parallel_loop3A_923, %parallel_loop3A_924, %parallel_loop3A_925, %parallel_loop3A_926], %parallel_loop3A_831 {add = true, strides = array<i32>} : memref<4x2x16x256xf32, #tpu.memory_space<vmem>>, vector<16xf32>,
      } {sc.loop_unroll_factor = 2 : i64, sc.parallel_access}
      %parallel_loop3A_667 = arith.constant 0 : i32
      %parallel_loop3A_668 = arith.constant 16 : i32
      %parallel_loop3A_669 = arith.constant 1 : i32
      scf.for %parallel_loop3A_747 = %parallel_loop3A_667 to %parallel_loop3A_668 step %parallel_loop3A_669  : i32 {
        %parallel_loop3A_748 = arith.constant 16 : i32
        %parallel_loop3A_749 = arith.addi %parallel_loop3A_748, %parallel_loop3A_747 : i32
        %parallel_loop3A_750 = arith.constant 256 : i32
        %parallel_loop3A_751 = arith.muli %parallel_loop3A_749, %parallel_loop3A_750 : i32
        %parallel_loop3A_752 = arith.constant 0 : i32
        %parallel_loop3A_753 = arith.addi %parallel_loop3A_751, %parallel_loop3A_752 : i32
        %parallel_loop3A_754 = arith.index_cast %select_n3A_541 : i32 to index
        %parallel_loop3A_755 = arith.index_cast %parallel_loop3A_753 : i32 to index
        %parallel_loop3A_756 = tpu.vector_load %arg8[%parallel_loop3A_754, %parallel_loop3A_755] {strides = array<i32>} : memref<4x8192xf32, #tpu.memory_space<vmem>>, vector<16xf32>,
        %parallel_loop3A_757 = arith.constant 16 : i32
        %parallel_loop3A_758 = arith.addi %parallel_loop3A_751, %parallel_loop3A_757 : i32
        %parallel_loop3A_759 = arith.index_cast %select_n3A_541 : i32 to index
        %parallel_loop3A_760 = arith.index_cast %parallel_loop3A_758 : i32 to index
        %parallel_loop3A_761 = tpu.vector_load %arg8[%parallel_loop3A_759, %parallel_loop3A_760] {strides = array<i32>} : memref<4x8192xf32, #tpu.memory_space<vmem>>, vector<16xf32>,
        %parallel_loop3A_762 = arith.constant 32 : i32
        %parallel_loop3A_763 = arith.addi %parallel_loop3A_751, %parallel_loop3A_762 : i32
        %parallel_loop3A_764 = arith.index_cast %select_n3A_541 : i32 to index
        %parallel_loop3A_765 = arith.index_cast %parallel_loop3A_763 : i32 to index
        %parallel_loop3A_766 = tpu.vector_load %arg8[%parallel_loop3A_764, %parallel_loop3A_765] {strides = array<i32>} : memref<4x8192xf32, #tpu.memory_space<vmem>>, vector<16xf32>,
        %parallel_loop3A_767 = arith.constant 48 : i32
        %parallel_loop3A_768 = arith.addi %parallel_loop3A_751, %parallel_loop3A_767 : i32
        %parallel_loop3A_769 = arith.index_cast %select_n3A_541 : i32 to index
        %parallel_loop3A_770 = arith.index_cast %parallel_loop3A_768 : i32 to index
        %parallel_loop3A_771 = tpu.vector_load %arg8[%parallel_loop3A_769, %parallel_loop3A_770] {strides = array<i32>} : memref<4x8192xf32, #tpu.memory_space<vmem>>, vector<16xf32>,
        %parallel_loop3A_772 = arith.constant 64 : i32
        %parallel_loop3A_773 = arith.addi %parallel_loop3A_751, %parallel_loop3A_772 : i32
        %parallel_loop3A_774 = arith.index_cast %select_n3A_541 : i32 to index
        %parallel_loop3A_775 = arith.index_cast %parallel_loop3A_773 : i32 to index
        %parallel_loop3A_776 = tpu.vector_load %arg8[%parallel_loop3A_774, %parallel_loop3A_775] {strides = array<i32>} : memref<4x8192xf32, #tpu.memory_space<vmem>>, vector<16xf32>,
        %parallel_loop3A_777 = arith.constant 80 : i32
        %parallel_loop3A_778 = arith.addi %parallel_loop3A_751, %parallel_loop3A_777 : i32
        %parallel_loop3A_779 = arith.index_cast %select_n3A_541 : i32 to index
        %parallel_loop3A_780 = arith.index_cast %parallel_loop3A_778 : i32 to index
        %parallel_loop3A_781 = tpu.vector_load %arg8[%parallel_loop3A_779, %parallel_loop3A_780] {strides = array<i32>} : memref<4x8192xf32, #tpu.memory_space<vmem>>, vector<16xf32>,
        %parallel_loop3A_782 = arith.constant 96 : i32
        %parallel_loop3A_783 = arith.addi %parallel_loop3A_751, %parallel_loop3A_782 : i32
        %parallel_loop3A_784 = arith.index_cast %select_n3A_541 : i32 to index
        %parallel_loop3A_785 = arith.index_cast %parallel_loop3A_783 : i32 to index
        %parallel_loop3A_786 = tpu.vector_load %arg8[%parallel_loop3A_784, %parallel_loop3A_785] {strides = array<i32>} : memref<4x8192xf32, #tpu.memory_space<vmem>>, vector<16xf32>,
        %parallel_loop3A_787 = arith.constant 112 : i32
        %parallel_loop3A_788 = arith.addi %parallel_loop3A_751, %parallel_loop3A_787 : i32
        %parallel_loop3A_789 = arith.index_cast %select_n3A_541 : i32 to index
        %parallel_loop3A_790 = arith.index_cast %parallel_loop3A_788 : i32 to index
        %parallel_loop3A_791 = tpu.vector_load %arg8[%parallel_loop3A_789, %parallel_loop3A_790] {strides = array<i32>} : memref<4x8192xf32, #tpu.memory_space<vmem>>, vector<16xf32>,
        %parallel_loop3A_792 = arith.constant 128 : i32
        %parallel_loop3A_793 = arith.addi %parallel_loop3A_751, %parallel_loop3A_792 : i32
        %parallel_loop3A_794 = arith.index_cast %select_n3A_541 : i32 to index
        %parallel_loop3A_795 = arith.index_cast %parallel_loop3A_793 : i32 to index
        %parallel_loop3A_796 = tpu.vector_load %arg8[%parallel_loop3A_794, %parallel_loop3A_795] {strides = array<i32>} : memref<4x8192xf32, #tpu.memory_space<vmem>>, vector<16xf32>,
        %parallel_loop3A_797 = arith.constant 144 : i32
        %parallel_loop3A_798 = arith.addi %parallel_loop3A_751, %parallel_loop3A_797 : i32
        %parallel_loop3A_799 = arith.index_cast %select_n3A_541 : i32 to index
        %parallel_loop3A_800 = arith.index_cast %parallel_loop3A_798 : i32 to index
        %parallel_loop3A_801 = tpu.vector_load %arg8[%parallel_loop3A_799, %parallel_loop3A_800] {strides = array<i32>} : memref<4x8192xf32, #tpu.memory_space<vmem>>, vector<16xf32>,
        %parallel_loop3A_802 = arith.constant 160 : i32
        %parallel_loop3A_803 = arith.addi %parallel_loop3A_751, %parallel_loop3A_802 : i32
        %parallel_loop3A_804 = arith.index_cast %select_n3A_541 : i32 to index
        %parallel_loop3A_805 = arith.index_cast %parallel_loop3A_803 : i32 to index
        %parallel_loop3A_806 = tpu.vector_load %arg8[%parallel_loop3A_804, %parallel_loop3A_805] {strides = array<i32>} : memref<4x8192xf32, #tpu.memory_space<vmem>>, vector<16xf32>,
        %parallel_loop3A_807 = arith.constant 176 : i32
        %parallel_loop3A_808 = arith.addi %parallel_loop3A_751, %parallel_loop3A_807 : i32
        %parallel_loop3A_809 = arith.index_cast %select_n3A_541 : i32 to index
        %parallel_loop3A_810 = arith.index_cast %parallel_loop3A_808 : i32 to index
        %parallel_loop3A_811 = tpu.vector_load %arg8[%parallel_loop3A_809, %parallel_loop3A_810] {strides = array<i32>} : memref<4x8192xf32, #tpu.memory_space<vmem>>, vector<16xf32>,
        %parallel_loop3A_812 = arith.constant 192 : i32
        %parallel_loop3A_813 = arith.addi %parallel_loop3A_751, %parallel_loop3A_812 : i32
        %parallel_loop3A_814 = arith.index_cast %select_n3A_541 : i32 to index
        %parallel_loop3A_815 = arith.index_cast %parallel_loop3A_813 : i32 to index
        %parallel_loop3A_816 = tpu.vector_load %arg8[%parallel_loop3A_814, %parallel_loop3A_815] {strides = array<i32>} : memref<4x8192xf32, #tpu.memory_space<vmem>>, vector<16xf32>,
        %parallel_loop3A_817 = arith.constant 208 : i32
        %parallel_loop3A_818 = arith.addi %parallel_loop3A_751, %parallel_loop3A_817 : i32
        %parallel_loop3A_819 = arith.index_cast %select_n3A_541 : i32 to index
        %parallel_loop3A_820 = arith.index_cast %parallel_loop3A_818 : i32 to index
        %parallel_loop3A_821 = tpu.vector_load %arg8[%parallel_loop3A_819, %parallel_loop3A_820] {strides = array<i32>} : memref<4x8192xf32, #tpu.memory_space<vmem>>, vector<16xf32>,
        %parallel_loop3A_822 = arith.constant 224 : i32
        %parallel_loop3A_823 = arith.addi %parallel_loop3A_751, %parallel_loop3A_822 : i32
        %parallel_loop3A_824 = arith.index_cast %select_n3A_541 : i32 to index
        %parallel_loop3A_825 = arith.index_cast %parallel_loop3A_823 : i32 to index
        %parallel_loop3A_826 = tpu.vector_load %arg8[%parallel_loop3A_824, %parallel_loop3A_825] {strides = array<i32>} : memref<4x8192xf32, #tpu.memory_space<vmem>>, vector<16xf32>,
        %parallel_loop3A_827 = arith.constant 240 : i32
        %parallel_loop3A_828 = arith.addi %parallel_loop3A_751, %parallel_loop3A_827 : i32
        %parallel_loop3A_829 = arith.index_cast %select_n3A_541 : i32 to index
        %parallel_loop3A_830 = arith.index_cast %parallel_loop3A_828 : i32 to index
        %parallel_loop3A_831 = tpu.vector_load %arg8[%parallel_loop3A_829, %parallel_loop3A_830] {strides = array<i32>} : memref<4x8192xf32, #tpu.memory_space<vmem>>, vector<16xf32>,
        %parallel_loop3A_832 = arith.constant 1 : i32
        %parallel_loop3A_833 = arith.index_cast %select_n3A_541 : i32 to index
        %parallel_loop3A_834 = arith.index_cast %parallel_loop3A_832 : i32 to index
        %parallel_loop3A_835 = arith.index_cast %parallel_loop3A_747 : i32 to index
        %parallel_loop3A_836 = arith.constant 0 : index
        %parallel_loop3A_837 = tpu.vector_load %arg7[%parallel_loop3A_833, %parallel_loop3A_834, %parallel_loop3A_835, %parallel_loop3A_836] {strides = array<i32>} : memref<4x2x16x256xf32, #tpu.memory_space<vmem>>, vector<16xf32>,
        tpu.vector_store %arg7[%parallel_loop3A_833, %parallel_loop3A_834, %parallel_loop3A_835, %parallel_loop3A_836], %parallel_loop3A_756 {add = true, strides = array<i32>} : memref<4x2x16x256xf32, #tpu.memory_space<vmem>>, vector<16xf32>,
        %parallel_loop3A_838 = arith.constant 1 : i32
        %parallel_loop3A_839 = arith.index_cast %select_n3A_541 : i32 to index
        %parallel_loop3A_840 = arith.index_cast %parallel_loop3A_838 : i32 to index
        %parallel_loop3A_841 = arith.index_cast %parallel_loop3A_747 : i32 to index
        %parallel_loop3A_842 = arith.constant 16 : index
        %parallel_loop3A_843 = tpu.vector_load %arg7[%parallel_loop3A_839, %parallel_loop3A_840, %parallel_loop3A_841, %parallel_loop3A_842] {strides = array<i32>} : memref<4x2x16x256xf32, #tpu.memory_space<vmem>>, vector<16xf32>,
        tpu.vector_store %arg7[%parallel_loop3A_839, %parallel_loop3A_840, %parallel_loop3A_841, %parallel_loop3A_842], %parallel_loop3A_761 {add = true, strides = array<i32>} : memref<4x2x16x256xf32, #tpu.memory_space<vmem>>, vector<16xf32>,
        %parallel_loop3A_844 = arith.constant 1 : i32
        %parallel_loop3A_845 = arith.index_cast %select_n3A_541 : i32 to index
        %parallel_loop3A_846 = arith.index_cast %parallel_loop3A_844 : i32 to index
        %parallel_loop3A_847 = arith.index_cast %parallel_loop3A_747 : i32 to index
        %parallel_loop3A_848 = arith.constant 32 : index
        %parallel_loop3A_849 = tpu.vector_load %arg7[%parallel_loop3A_845, %parallel_loop3A_846, %parallel_loop3A_847, %parallel_loop3A_848] {strides = array<i32>} : memref<4x2x16x256xf32, #tpu.memory_space<vmem>>, vector<16xf32>,
        tpu.vector_store %arg7[%parallel_loop3A_845, %parallel_loop3A_846, %parallel_loop3A_847, %parallel_loop3A_848], %parallel_loop3A_766 {add = true, strides = array<i32>} : memref<4x2x16x256xf32, #tpu.memory_space<vmem>>, vector<16xf32>,
        %parallel_loop3A_850 = arith.constant 1 : i32
        %parallel_loop3A_851 = arith.index_cast %select_n3A_541 : i32 to index
        %parallel_loop3A_852 = arith.index_cast %parallel_loop3A_850 : i32 to index
        %parallel_loop3A_853 = arith.index_cast %parallel_loop3A_747 : i32 to index
        %parallel_loop3A_854 = arith.constant 48 : index
        %parallel_loop3A_855 = tpu.vector_load %arg7[%parallel_loop3A_851, %parallel_loop3A_852, %parallel_loop3A_853, %parallel_loop3A_854] {strides = array<i32>} : memref<4x2x16x256xf32, #tpu.memory_space<vmem>>, vector<16xf32>,
        tpu.vector_store %arg7[%parallel_loop3A_851, %parallel_loop3A_852, %parallel_loop3A_853, %parallel_loop3A_854], %parallel_loop3A_771 {add = true, strides = array<i32>} : memref<4x2x16x256xf32, #tpu.memory_space<vmem>>, vector<16xf32>,
        %parallel_loop3A_856 = arith.constant 1 : i32
        %parallel_loop3A_857 = arith.index_cast %select_n3A_541 : i32 to index
        %parallel_loop3A_858 = arith.index_cast %parallel_loop3A_856 : i32 to index
        %parallel_loop3A_859 = arith.index_cast %parallel_loop3A_747 : i32 to index
        %parallel_loop3A_860 = arith.constant 64 : index
        %parallel_loop3A_861 = tpu.vector_load %arg7[%parallel_loop3A_857, %parallel_loop3A_858, %parallel_loop3A_859, %parallel_loop3A_860] {strides = array<i32>} : memref<4x2x16x256xf32, #tpu.memory_space<vmem>>, vector<16xf32>,
        tpu.vector_store %arg7[%parallel_loop3A_857, %parallel_loop3A_858, %parallel_loop3A_859, %parallel_loop3A_860], %parallel_loop3A_776 {add = true, strides = array<i32>} : memref<4x2x16x256xf32, #tpu.memory_space<vmem>>, vector<16xf32>,
        %parallel_loop3A_862 = arith.constant 1 : i32
        %parallel_loop3A_863 = arith.index_cast %select_n3A_541 : i32 to index
        %parallel_loop3A_864 = arith.index_cast %parallel_loop3A_862 : i32 to index
        %parallel_loop3A_865 = arith.index_cast %parallel_loop3A_747 : i32 to index
        %parallel_loop3A_866 = arith.constant 80 : index
        %parallel_loop3A_867 = tpu.vector_load %arg7[%parallel_loop3A_863, %parallel_loop3A_864, %parallel_loop3A_865, %parallel_loop3A_866] {strides = array<i32>} : memref<4x2x16x256xf32, #tpu.memory_space<vmem>>, vector<16xf32>,
        tpu.vector_store %arg7[%parallel_loop3A_863, %parallel_loop3A_864, %parallel_loop3A_865, %parallel_loop3A_866], %parallel_loop3A_781 {add = true, strides = array<i32>} : memref<4x2x16x256xf32, #tpu.memory_space<vmem>>, vector<16xf32>,
        %parallel_loop3A_868 = arith.constant 1 : i32
        %parallel_loop3A_869 = arith.index_cast %select_n3A_541 : i32 to index
        %parallel_loop3A_870 = arith.index_cast %parallel_loop3A_868 : i32 to index
        %parallel_loop3A_871 = arith.index_cast %parallel_loop3A_747 : i32 to index
        %parallel_loop3A_872 = arith.constant 96 : index
        %parallel_loop3A_873 = tpu.vector_load %arg7[%parallel_loop3A_869, %parallel_loop3A_870, %parallel_loop3A_871, %parallel_loop3A_872] {strides = array<i32>} : memref<4x2x16x256xf32, #tpu.memory_space<vmem>>, vector<16xf32>,
        tpu.vector_store %arg7[%parallel_loop3A_869, %parallel_loop3A_870, %parallel_loop3A_871, %parallel_loop3A_872], %parallel_loop3A_786 {add = true, strides = array<i32>} : memref<4x2x16x256xf32, #tpu.memory_space<vmem>>, vector<16xf32>,
        %parallel_loop3A_874 = arith.constant 1 : i32
        %parallel_loop3A_875 = arith.index_cast %select_n3A_541 : i32 to index
        %parallel_loop3A_876 = arith.index_cast %parallel_loop3A_874 : i32 to index
        %parallel_loop3A_877 = arith.index_cast %parallel_loop3A_747 : i32 to index
        %parallel_loop3A_878 = arith.constant 112 : index
        %parallel_loop3A_879 = tpu.vector_load %arg7[%parallel_loop3A_875, %parallel_loop3A_876, %parallel_loop3A_877, %parallel_loop3A_878] {strides = array<i32>} : memref<4x2x16x256xf32, #tpu.memory_space<vmem>>, vector<16xf32>,
        tpu.vector_store %arg7[%parallel_loop3A_875, %parallel_loop3A_876, %parallel_loop3A_877, %parallel_loop3A_878], %parallel_loop3A_791 {add = true, strides = array<i32>} : memref<4x2x16x256xf32, #tpu.memory_space<vmem>>, vector<16xf32>,
        %parallel_loop3A_880 = arith.constant 1 : i32
        %parallel_loop3A_881 = arith.index_cast %select_n3A_541 : i32 to index
        %parallel_loop3A_882 = arith.index_cast %parallel_loop3A_880 : i32 to index
        %parallel_loop3A_883 = arith.index_cast %parallel_loop3A_747 : i32 to index
        %parallel_loop3A_884 = arith.constant 128 : index
        %parallel_loop3A_885 = tpu.vector_load %arg7[%parallel_loop3A_881, %parallel_loop3A_882, %parallel_loop3A_883, %parallel_loop3A_884] {strides = array<i32>} : memref<4x2x16x256xf32, #tpu.memory_space<vmem>>, vector<16xf32>,
        tpu.vector_store %arg7[%parallel_loop3A_881, %parallel_loop3A_882, %parallel_loop3A_883, %parallel_loop3A_884], %parallel_loop3A_796 {add = true, strides = array<i32>} : memref<4x2x16x256xf32, #tpu.memory_space<vmem>>, vector<16xf32>,
        %parallel_loop3A_886 = arith.constant 1 : i32
        %parallel_loop3A_887 = arith.index_cast %select_n3A_541 : i32 to index
        %parallel_loop3A_888 = arith.index_cast %parallel_loop3A_886 : i32 to index
        %parallel_loop3A_889 = arith.index_cast %parallel_loop3A_747 : i32 to index
        %parallel_loop3A_890 = arith.constant 144 : index
        %parallel_loop3A_891 = tpu.vector_load %arg7[%parallel_loop3A_887, %parallel_loop3A_888, %parallel_loop3A_889, %parallel_loop3A_890] {strides = array<i32>} : memref<4x2x16x256xf32, #tpu.memory_space<vmem>>, vector<16xf32>,
        tpu.vector_store %arg7[%parallel_loop3A_887, %parallel_loop3A_888, %parallel_loop3A_889, %parallel_loop3A_890], %parallel_loop3A_801 {add = true, strides = array<i32>} : memref<4x2x16x256xf32, #tpu.memory_space<vmem>>, vector<16xf32>,
        %parallel_loop3A_892 = arith.constant 1 : i32
        %parallel_loop3A_893 = arith.index_cast %select_n3A_541 : i32 to index
        %parallel_loop3A_894 = arith.index_cast %parallel_loop3A_892 : i32 to index
        %parallel_loop3A_895 = arith.index_cast %parallel_loop3A_747 : i32 to index
        %parallel_loop3A_896 = arith.constant 160 : index
        %parallel_loop3A_897 = tpu.vector_load %arg7[%parallel_loop3A_893, %parallel_loop3A_894, %parallel_loop3A_895, %parallel_loop3A_896] {strides = array<i32>} : memref<4x2x16x256xf32, #tpu.memory_space<vmem>>, vector<16xf32>,
        tpu.vector_store %arg7[%parallel_loop3A_893, %parallel_loop3A_894, %parallel_loop3A_895, %parallel_loop3A_896], %parallel_loop3A_806 {add = true, strides = array<i32>} : memref<4x2x16x256xf32, #tpu.memory_space<vmem>>, vector<16xf32>,
        %parallel_loop3A_898 = arith.constant 1 : i32
        %parallel_loop3A_899 = arith.index_cast %select_n3A_541 : i32 to index
        %parallel_loop3A_900 = arith.index_cast %parallel_loop3A_898 : i32 to index
        %parallel_loop3A_901 = arith.index_cast %parallel_loop3A_747 : i32 to index
        %parallel_loop3A_902 = arith.constant 176 : index
        %parallel_loop3A_903 = tpu.vector_load %arg7[%parallel_loop3A_899, %parallel_loop3A_900, %parallel_loop3A_901, %parallel_loop3A_902] {strides = array<i32>} : memref<4x2x16x256xf32, #tpu.memory_space<vmem>>, vector<16xf32>,
        tpu.vector_store %arg7[%parallel_loop3A_899, %parallel_loop3A_900, %parallel_loop3A_901, %parallel_loop3A_902], %parallel_loop3A_811 {add = true, strides = array<i32>} : memref<4x2x16x256xf32, #tpu.memory_space<vmem>>, vector<16xf32>,
        %parallel_loop3A_904 = arith.constant 1 : i32
        %parallel_loop3A_905 = arith.index_cast %select_n3A_541 : i32 to index
        %parallel_loop3A_906 = arith.index_cast %parallel_loop3A_904 : i32 to index
        %parallel_loop3A_907 = arith.index_cast %parallel_loop3A_747 : i32 to index
        %parallel_loop3A_908 = arith.constant 192 : index
        %parallel_loop3A_909 = tpu.vector_load %arg7[%parallel_loop3A_905, %parallel_loop3A_906, %parallel_loop3A_907, %parallel_loop3A_908] {strides = array<i32>} : memref<4x2x16x256xf32, #tpu.memory_space<vmem>>, vector<16xf32>,
        tpu.vector_store %arg7[%parallel_loop3A_905, %parallel_loop3A_906, %parallel_loop3A_907, %parallel_loop3A_908], %parallel_loop3A_816 {add = true, strides = array<i32>} : memref<4x2x16x256xf32, #tpu.memory_space<vmem>>, vector<16xf32>,
        %parallel_loop3A_910 = arith.constant 1 : i32
        %parallel_loop3A_911 = arith.index_cast %select_n3A_541 : i32 to index
        %parallel_loop3A_912 = arith.index_cast %parallel_loop3A_910 : i32 to index
        %parallel_loop3A_913 = arith.index_cast %parallel_loop3A_747 : i32 to index
        %parallel_loop3A_914 = arith.constant 208 : index
        %parallel_loop3A_915 = tpu.vector_load %arg7[%parallel_loop3A_911, %parallel_loop3A_912, %parallel_loop3A_913, %parallel_loop3A_914] {strides = array<i32>} : memref<4x2x16x256xf32, #tpu.memory_space<vmem>>, vector<16xf32>,
        tpu.vector_store %arg7[%parallel_loop3A_911, %parallel_loop3A_912, %parallel_loop3A_913, %parallel_loop3A_914], %parallel_loop3A_821 {add = true, strides = array<i32>} : memref<4x2x16x256xf32, #tpu.memory_space<vmem>>, vector<16xf32>,
        %parallel_loop3A_916 = arith.constant 1 : i32
        %parallel_loop3A_917 = arith.index_cast %select_n3A_541 : i32 to index
        %parallel_loop3A_918 = arith.index_cast %parallel_loop3A_916 : i32 to index
        %parallel_loop3A_919 = arith.index_cast %parallel_loop3A_747 : i32 to index
        %parallel_loop3A_920 = arith.constant 224 : index
        %parallel_loop3A_921 = tpu.vector_load %arg7[%parallel_loop3A_917, %parallel_loop3A_918, %parallel_loop3A_919, %parallel_loop3A_920] {strides = array<i32>} : memref<4x2x16x256xf32, #tpu.memory_space<vmem>>, vector<16xf32>,
        tpu.vector_store %arg7[%parallel_loop3A_917, %parallel_loop3A_918, %parallel_loop3A_919, %parallel_loop3A_920], %parallel_loop3A_826 {add = true, strides = array<i32>} : memref<4x2x16x256xf32, #tpu.memory_space<vmem>>, vector<16xf32>,
        %parallel_loop3A_922 = arith.constant 1 : i32
        %parallel_loop3A_923 = arith.index_cast %select_n3A_541 : i32 to index
        %parallel_loop3A_924 = arith.index_cast %parallel_loop3A_922 : i32 to index
        %parallel_loop3A_925 = arith.index_cast %parallel_loop3A_747 : i32 to index
        %parallel_loop3A_926 = arith.constant 240 : index
        %parallel_loop3A_927 = tpu.vector_load %arg7[%parallel_loop3A_923, %parallel_loop3A_924, %parallel_loop3A_925, %parallel_loop3A_926] {strides = array<i32>} : memref<4x2x16x256xf32, #tpu.memory_space<vmem>>, vector<16xf32>,
        tpu.vector_store %arg7[%parallel_loop3A_923, %parallel_loop3A_924, %parallel_loop3A_925, %parallel_loop3A_926], %parallel_loop3A_831 {add = true, strides = array<i32>} : memref<4x2x16x256xf32, #tpu.memory_space<vmem>>, vector<16xf32>,
      } {sc.loop_unroll_factor = 2 : i64, sc.parallel_access}
      %jit3A_670 = arith.constant 8 : i32
      %div3A_671 = arith.divsi %scan3A_525, %jit3A_670 : i32
      %sign3A_672 = arith.constant 0 : i32
      %sign3A_673 = arith.cmpi sgt, %scan3A_525, %sign3A_672 : i32
      %sign3A_674 = arith.extui %sign3A_673 : i1 to i32
      %sign3A_675 = arith.constant 0 : i32
      %sign3A_676 = arith.cmpi slt, %scan3A_525, %sign3A_675 : i32
      %sign3A_677 = arith.extui %sign3A_676 : i1 to i32
      %sign3A_678 = arith.subi %sign3A_674, %sign3A_677 : i32
      %sign3A_679 = arith.constant 0 : i32
      %sign3A_680 = arith.cmpi sgt, %jit3A_670, %sign3A_679 : i32
      %sign3A_681 = arith.extui %sign3A_680 : i1 to i32
      %sign3A_682 = arith.constant 0 : i32
      %sign3A_683 = arith.cmpi slt, %jit3A_670, %sign3A_682 : i32
      %sign3A_684 = arith.extui %sign3A_683 : i1 to i32
      %sign3A_685 = arith.subi %sign3A_681, %sign3A_684 : i32
      %ne3A_686 = arith.cmpi ne, %sign3A_678, %sign3A_685 : i32
      %rem3A_687 = arith.remsi %scan3A_525, %jit3A_670 : i32
      %ne3A_688 = arith.constant 0 : i32
      %ne3A_689 = arith.cmpi ne, %rem3A_687, %ne3A_688 : i32
      %and3A_690 = arith.andi %ne3A_686, %ne3A_689 : i1
      %sub3A_691 = arith.constant 1 : i32
      %sub3A_692 = arith.subi %div3A_671, %sub3A_691 : i32
      %select_n3A_693 = arith.select %and3A_690, %sub3A_692, %div3A_671 : i32
      %add3A_694 = arith.addi %mul3A_2, %select_n3A_693 : i32
      %jit3A_695 = arith.constant 8 : i32
      %eq3A_696 = arith.constant 0 : i32
      %eq3A_697 = arith.cmpi eq, %jit3A_695, %eq3A_696 : i32
      %jit3A_698 = arith.constant 1 : i32
      %select_n3A_699 = arith.select %eq3A_697, %jit3A_698, %jit3A_695 : i32
      %rem3A_700 = arith.remsi %scan3A_525, %select_n3A_699 : i32
      %ne3A_701 = arith.constant 0 : i32
      %ne3A_702 = arith.cmpi ne, %rem3A_700, %ne3A_701 : i32
      %lt3A_703 = arith.constant 0 : i32
      %lt3A_704 = arith.cmpi slt, %rem3A_700, %lt3A_703 : i32
      %lt3A_705 = arith.constant 0 : i32
      %lt3A_706 = arith.cmpi slt, %select_n3A_699, %lt3A_705 : i32
      %ne3A_707 = arith.xori %lt3A_704, %lt3A_706 : i1
      %and3A_708 = arith.andi %ne3A_707, %ne3A_702 : i1
      %add3A_709 = arith.addi %rem3A_700, %select_n3A_699 : i32
      %select_n3A_710 = arith.select %and3A_708, %add3A_709, %rem3A_700 : i32
      %mul3A_711 = arith.constant 2 : i32
      %mul3A_712 = arith.muli %select_n3A_710, %mul3A_711 : i32
      %dma_start3A_713 = arith.constant 0 : i32
      %dma_start3A_714 = arith.constant 0 : i32
      %dma_start3A_715 = arith.constant 0 : i32
      %dma_start3A_716 = tpu.memref_slice %arg7[%select_n3A_541, %dma_start3A_713, %dma_start3A_714, %dma_start3A_715] : memref<4x2x16x256xf32, #tpu.memory_space<vmem>> -> memref<1x2x16x256xf32, #tpu.memory_space<vmem>>
      %dma_start3A_717 = tpu.memref_squeeze %dma_start3A_716 : memref<1x2x16x256xf32, #tpu.memory_space<vmem>> -> memref<2x16x256xf32, #tpu.memory_space<vmem>>
      %dma_start3A_718 = arith.constant 0 : i32
      %dma_start3A_719 = arith.constant 0 : i32
      %dma_start3A_720 = tpu.memref_slice %arg5[%add3A_694, %mul3A_712, %dma_start3A_718, %dma_start3A_719] : memref<256x16x16x256xf32, #tpu.memory_space<hbm>> -> memref<1x2x16x256xf32, #tpu.memory_space<hbm>>
      %dma_start3A_721 = tpu.memref_squeeze %dma_start3A_720 : memref<1x2x16x256xf32, #tpu.memory_space<hbm>> -> memref<2x16x256xf32, #tpu.memory_space<hbm>>
      %dma_start3A_722 = tpu.memref_slice %arg12[%select_n3A_541] : memref<4x!tpu.dma_semaphore, #tpu.memory_space<semaphore_mem>> -> memref<1x!tpu.dma_semaphore, #tpu.memory_space<semaphore_mem>>
      %dma_start3A_723 = tpu.memref_squeeze %dma_start3A_722 : memref<1x!tpu.dma_semaphore, #tpu.memory_space<semaphore_mem>> -> memref<!tpu.dma_semaphore, #tpu.memory_space<semaphore_mem>>
      %dma_start3A_724 = arith.constant 0 : i32
      %dma_start3A_725 = arith.constant 0 : i32
      %dma_start3A_726 = tpu.memref_slice %arg5[%add3A_694, %mul3A_712, %dma_start3A_724, %dma_start3A_725] : memref<256x16x16x256xf32, #tpu.memory_space<hbm>> -> memref<1x2x16x256xf32, #tpu.memory_space<hbm>>
      %dma_start3A_727 = tpu.memref_squeeze %dma_start3A_726 : memref<1x2x16x256xf32, #tpu.memory_space<hbm>> -> memref<2x16x256xf32, #tpu.memory_space<hbm>>
      %dma_start3A_728 = arith.constant 0 : i32
      %dma_start3A_729 = arith.constant 0 : i32
      %dma_start3A_730 = arith.constant 0 : i32
      %dma_start3A_731 = tpu.memref_slice %arg7[%select_n3A_541, %dma_start3A_728, %dma_start3A_729, %dma_start3A_730] : memref<4x2x16x256xf32, #tpu.memory_space<vmem>> -> memref<1x2x16x256xf32, #tpu.memory_space<vmem>>
      %dma_start3A_732 = tpu.memref_squeeze %dma_start3A_731 : memref<1x2x16x256xf32, #tpu.memory_space<vmem>> -> memref<2x16x256xf32, #tpu.memory_space<vmem>>
      tpu.enqueue_dma source(%dma_start3A_732 : memref<2x16x256xf32, #tpu.memory_space<vmem>>) target(%dma_start3A_727 : memref<2x16x256xf32, #tpu.memory_space<hbm>>) target_semaphore(%dma_start3A_723 : memref<!tpu.dma_semaphore, #tpu.memory_space<semaphore_mem>>)
      %ge3A = arith.constant 1 : i32
      %ge3A_733 = arith.cmpi sge, %scan3A_525, %ge3A : i32
      %add3A_734 = arith.constant 3 : i32
      %add3A_735 = arith.addi %scan3A_525, %add3A_734 : i32
      %lt3A_736 = arith.constant 64 : i32
      %lt3A_737 = arith.cmpi slt, %add3A_735, %lt3A_736 : i32
      %and3A_738 = arith.andi %ge3A_733, %lt3A_737 : i1
      %convert_element_type3A = arith.extui %and3A_738 : i1 to i32
      %cond3A = arith.constant 0 : i32
      %cond3A_739 = arith.cmpi ne, %convert_element_type3A, %cond3A : i32
      scf.if %cond3A_739 {
        %sub3A_747 = arith.constant 1 : i32
        %sub3A_748 = arith.subi %scan3A_525, %sub3A_747 : i32
        %sub3A_749 = arith.constant 1 : i32
        %sub3A_750 = arith.subi %scan3A_525, %sub3A_749 : i32
        %jit3A_751 = arith.constant 4 : i32
        %eq3A_752 = arith.constant 0 : i32
        %eq3A_753 = arith.cmpi eq, %jit3A_751, %eq3A_752 : i32
        %jit3A_754 = arith.constant 1 : i32
        %select_n3A_755 = arith.select %eq3A_753, %jit3A_754, %jit3A_751 : i32
        %rem3A_756 = arith.remsi %sub3A_750, %select_n3A_755 : i32
        %ne3A_757 = arith.constant 0 : i32
        %ne3A_758 = arith.cmpi ne, %rem3A_756, %ne3A_757 : i32
        %lt3A_759 = arith.constant 0 : i32
        %lt3A_760 = arith.cmpi slt, %rem3A_756, %lt3A_759 : i32
        %lt3A_761 = arith.constant 0 : i32
        %lt3A_762 = arith.cmpi slt, %select_n3A_755, %lt3A_761 : i32
        %ne3A_763 = arith.xori %lt3A_760, %lt3A_762 : i1
        %and3A_764 = arith.andi %ne3A_763, %ne3A_758 : i1
        %add3A_765 = arith.addi %rem3A_756, %select_n3A_755 : i32
        %select_n3A_766 = arith.select %and3A_764, %add3A_765, %rem3A_756 : i32
        %jit3A_767 = arith.constant 8 : i32
        %div3A_768 = arith.divsi %sub3A_748, %jit3A_767 : i32
        %sign3A_769 = arith.constant 0 : i32
        %sign3A_770 = arith.cmpi sgt, %sub3A_748, %sign3A_769 : i32
        %sign3A_771 = arith.extui %sign3A_770 : i1 to i32
        %sign3A_772 = arith.constant 0 : i32
        %sign3A_773 = arith.cmpi slt, %sub3A_748, %sign3A_772 : i32
        %sign3A_774 = arith.extui %sign3A_773 : i1 to i32
        %sign3A_775 = arith.subi %sign3A_771, %sign3A_774 : i32
        %sign3A_776 = arith.constant 0 : i32
        %sign3A_777 = arith.cmpi sgt, %jit3A_767, %sign3A_776 : i32
        %sign3A_778 = arith.extui %sign3A_777 : i1 to i32
        %sign3A_779 = arith.constant 0 : i32
        %sign3A_780 = arith.cmpi slt, %jit3A_767, %sign3A_779 : i32
        %sign3A_781 = arith.extui %sign3A_780 : i1 to i32
        %sign3A_782 = arith.subi %sign3A_778, %sign3A_781 : i32
        %ne3A_783 = arith.cmpi ne, %sign3A_775, %sign3A_782 : i32
        %rem3A_784 = arith.remsi %sub3A_748, %jit3A_767 : i32
        %ne3A_785 = arith.constant 0 : i32
        %ne3A_786 = arith.cmpi ne, %rem3A_784, %ne3A_785 : i32
        %and3A_787 = arith.andi %ne3A_783, %ne3A_786 : i1
        %sub3A_788 = arith.constant 1 : i32
        %sub3A_789 = arith.subi %div3A_768, %sub3A_788 : i32
        %select_n3A_790 = arith.select %and3A_787, %sub3A_789, %div3A_768 : i32
        %add3A_791 = arith.addi %mul3A_2, %select_n3A_790 : i32
        %jit3A_792 = arith.constant 8 : i32
        %eq3A_793 = arith.constant 0 : i32
        %eq3A_794 = arith.cmpi eq, %jit3A_792, %eq3A_793 : i32
        %jit3A_795 = arith.constant 1 : i32
        %select_n3A_796 = arith.select %eq3A_794, %jit3A_795, %jit3A_792 : i32
        %rem3A_797 = arith.remsi %sub3A_748, %select_n3A_796 : i32
        %ne3A_798 = arith.constant 0 : i32
        %ne3A_799 = arith.cmpi ne, %rem3A_797, %ne3A_798 : i32
        %lt3A_800 = arith.constant 0 : i32
        %lt3A_801 = arith.cmpi slt, %rem3A_797, %lt3A_800 : i32
        %lt3A_802 = arith.constant 0 : i32
        %lt3A_803 = arith.cmpi slt, %select_n3A_796, %lt3A_802 : i32
        %ne3A_804 = arith.xori %lt3A_801, %lt3A_803 : i1
        %and3A_805 = arith.andi %ne3A_804, %ne3A_799 : i1
        %add3A_806 = arith.addi %rem3A_797, %select_n3A_796 : i32
        %select_n3A_807 = arith.select %and3A_805, %add3A_806, %rem3A_797 : i32
        %mul3A_808 = arith.constant 2 : i32
        %mul3A_809 = arith.muli %select_n3A_807, %mul3A_808 : i32
        %dma_wait3A_810 = arith.constant 0 : i32
        %dma_wait3A_811 = arith.constant 0 : i32
        %dma_wait3A_812 = arith.constant 0 : i32
        %dma_wait3A_813 = tpu.memref_slice %arg7[%select_n3A_766, %dma_wait3A_810, %dma_wait3A_811, %dma_wait3A_812] : memref<4x2x16x256xf32, #tpu.memory_space<vmem>> -> memref<1x2x16x256xf32, #tpu.memory_space<vmem>>
        %dma_wait3A_814 = tpu.memref_squeeze %dma_wait3A_813 : memref<1x2x16x256xf32, #tpu.memory_space<vmem>> -> memref<2x16x256xf32, #tpu.memory_space<vmem>>
        %dma_wait3A_815 = arith.constant 0 : i32
        %dma_wait3A_816 = arith.constant 0 : i32
        %dma_wait3A_817 = tpu.memref_slice %arg5[%add3A_791, %mul3A_809, %dma_wait3A_815, %dma_wait3A_816] : memref<256x16x16x256xf32, #tpu.memory_space<hbm>> -> memref<1x2x16x256xf32, #tpu.memory_space<hbm>>
        %dma_wait3A_818 = tpu.memref_squeeze %dma_wait3A_817 : memref<1x2x16x256xf32, #tpu.memory_space<hbm>> -> memref<2x16x256xf32, #tpu.memory_space<hbm>>
        %dma_wait3A_819 = tpu.memref_slice %arg12[%select_n3A_766] : memref<4x!tpu.dma_semaphore, #tpu.memory_space<semaphore_mem>> -> memref<1x!tpu.dma_semaphore, #tpu.memory_space<semaphore_mem>>
        %dma_wait3A_820 = tpu.memref_squeeze %dma_wait3A_819 : memref<1x!tpu.dma_semaphore, #tpu.memory_space<semaphore_mem>> -> memref<!tpu.dma_semaphore, #tpu.memory_space<semaphore_mem>>
        %dma_wait3A_821 = arith.constant 0 : i32
        %dma_wait3A_822 = arith.constant 0 : i32
        %dma_wait3A_823 = tpu.memref_slice %arg5[%add3A_791, %mul3A_809, %dma_wait3A_821, %dma_wait3A_822] : memref<256x16x16x256xf32, #tpu.memory_space<hbm>> -> memref<1x2x16x256xf32, #tpu.memory_space<hbm>>
        %dma_wait3A_824 = tpu.memref_squeeze %dma_wait3A_823 : memref<1x2x16x256xf32, #tpu.memory_space<hbm>> -> memref<2x16x256xf32, #tpu.memory_space<hbm>>
        %dma_wait3A_825 = arith.constant 0 : i32
        %dma_wait3A_826 = arith.constant 0 : i32
        %dma_wait3A_827 = arith.constant 0 : i32
        %dma_wait3A_828 = tpu.memref_slice %arg7[%select_n3A_766, %dma_wait3A_825, %dma_wait3A_826, %dma_wait3A_827] : memref<4x2x16x256xf32, #tpu.memory_space<vmem>> -> memref<1x2x16x256xf32, #tpu.memory_space<vmem>>
        %dma_wait3A_829 = tpu.memref_squeeze %dma_wait3A_828 : memref<1x2x16x256xf32, #tpu.memory_space<vmem>> -> memref<2x16x256xf32, #tpu.memory_space<vmem>>
        tpu.wait_dma2 semaphore(%dma_wait3A_820 : memref<!tpu.dma_semaphore, #tpu.memory_space<semaphore_mem>>) src(%dma_wait3A_829 : memref<2x16x256xf32, #tpu.memory_space<vmem>>) dst(%dma_wait3A_824 : memref<2x16x256xf32, #tpu.memory_space<hbm>>)
      } else {
      }
      %add3A_740 = arith.constant 3 : i32
      %add3A_741 = arith.addi %scan3A_525, %add3A_740 : i32
      %lt3A_742 = arith.constant 64 : i32
      %lt3A_743 = arith.cmpi slt, %add3A_741, %lt3A_742 : i32
      %convert_element_type3A_744 = arith.extui %lt3A_743 : i1 to i32
      %cond3A_745 = arith.constant 0 : i32
      %cond3A_746 = arith.cmpi ne, %convert_element_type3A_744, %cond3A_745 : i32
      scf.if %cond3A_746 {
        %add3A_747 = arith.constant 3 : i32
        %add3A_748 = arith.addi %scan3A_525, %add3A_747 : i32
        %add3A_749 = arith.constant 3 : i32
        %add3A_750 = arith.addi %scan3A_525, %add3A_749 : i32
        %jit3A_751 = arith.constant 4 : i32
        %eq3A_752 = arith.constant 0 : i32
        %eq3A_753 = arith.cmpi eq, %jit3A_751, %eq3A_752 : i32
        %jit3A_754 = arith.constant 1 : i32
        %select_n3A_755 = arith.select %eq3A_753, %jit3A_754, %jit3A_751 : i32
        %rem3A_756 = arith.remsi %add3A_750, %select_n3A_755 : i32
        %ne3A_757 = arith.constant 0 : i32
        %ne3A_758 = arith.cmpi ne, %rem3A_756, %ne3A_757 : i32
        %lt3A_759 = arith.constant 0 : i32
        %lt3A_760 = arith.cmpi slt, %rem3A_756, %lt3A_759 : i32
        %lt3A_761 = arith.constant 0 : i32
        %lt3A_762 = arith.cmpi slt, %select_n3A_755, %lt3A_761 : i32
        %ne3A_763 = arith.xori %lt3A_760, %lt3A_762 : i1
        %and3A_764 = arith.andi %ne3A_763, %ne3A_758 : i1
        %add3A_765 = arith.addi %rem3A_756, %select_n3A_755 : i32
        %select_n3A_766 = arith.select %and3A_764, %add3A_765, %rem3A_756 : i32
        %jit3A_767 = arith.constant 8 : i32
        %div3A_768 = arith.divsi %add3A_748, %jit3A_767 : i32
        %sign3A_769 = arith.constant 0 : i32
        %sign3A_770 = arith.cmpi sgt, %add3A_748, %sign3A_769 : i32
        %sign3A_771 = arith.extui %sign3A_770 : i1 to i32
        %sign3A_772 = arith.constant 0 : i32
        %sign3A_773 = arith.cmpi slt, %add3A_748, %sign3A_772 : i32
        %sign3A_774 = arith.extui %sign3A_773 : i1 to i32
        %sign3A_775 = arith.subi %sign3A_771, %sign3A_774 : i32
        %sign3A_776 = arith.constant 0 : i32
        %sign3A_777 = arith.cmpi sgt, %jit3A_767, %sign3A_776 : i32
        %sign3A_778 = arith.extui %sign3A_777 : i1 to i32
        %sign3A_779 = arith.constant 0 : i32
        %sign3A_780 = arith.cmpi slt, %jit3A_767, %sign3A_779 : i32
        %sign3A_781 = arith.extui %sign3A_780 : i1 to i32
        %sign3A_782 = arith.subi %sign3A_778, %sign3A_781 : i32
        %ne3A_783 = arith.cmpi ne, %sign3A_775, %sign3A_782 : i32
        %rem3A_784 = arith.remsi %add3A_748, %jit3A_767 : i32
        %ne3A_785 = arith.constant 0 : i32
        %ne3A_786 = arith.cmpi ne, %rem3A_784, %ne3A_785 : i32
        %and3A_787 = arith.andi %ne3A_783, %ne3A_786 : i1
        %sub3A_788 = arith.constant 1 : i32
        %sub3A_789 = arith.subi %div3A_768, %sub3A_788 : i32
        %select_n3A_790 = arith.select %and3A_787, %sub3A_789, %div3A_768 : i32
        %add3A_791 = arith.addi %mul3A_2, %select_n3A_790 : i32
        %jit3A_792 = arith.constant 8 : i32
        %eq3A_793 = arith.constant 0 : i32
        %eq3A_794 = arith.cmpi eq, %jit3A_792, %eq3A_793 : i32
        %jit3A_795 = arith.constant 1 : i32
        %select_n3A_796 = arith.select %eq3A_794, %jit3A_795, %jit3A_792 : i32
        %rem3A_797 = arith.remsi %add3A_748, %select_n3A_796 : i32
        %ne3A_798 = arith.constant 0 : i32
        %ne3A_799 = arith.cmpi ne, %rem3A_797, %ne3A_798 : i32
        %lt3A_800 = arith.constant 0 : i32
        %lt3A_801 = arith.cmpi slt, %rem3A_797, %lt3A_800 : i32
        %lt3A_802 = arith.constant 0 : i32
        %lt3A_803 = arith.cmpi slt, %select_n3A_796, %lt3A_802 : i32
        %ne3A_804 = arith.xori %lt3A_801, %lt3A_803 : i1
        %and3A_805 = arith.andi %ne3A_804, %ne3A_799 : i1
        %add3A_806 = arith.addi %rem3A_797, %select_n3A_796 : i32
        %select_n3A_807 = arith.select %and3A_805, %add3A_806, %rem3A_797 : i32
        %mul3A_808 = arith.constant 2 : i32
        %mul3A_809 = arith.muli %select_n3A_807, %mul3A_808 : i32
        %dma_start3A_810 = arith.constant 0 : i32
        %dma_start3A_811 = arith.constant 0 : i32
        %dma_start3A_812 = arith.constant 0 : i32
        %dma_start3A_813 = tpu.memref_slice %arg7[%select_n3A_766, %dma_start3A_810, %dma_start3A_811, %dma_start3A_812] : memref<4x2x16x256xf32, #tpu.memory_space<vmem>> -> memref<1x2x16x256xf32, #tpu.memory_space<vmem>>
        %dma_start3A_814 = tpu.memref_squeeze %dma_start3A_813 : memref<1x2x16x256xf32, #tpu.memory_space<vmem>> -> memref<2x16x256xf32, #tpu.memory_space<vmem>>
        %dma_start3A_815 = arith.constant 0 : i32
        %dma_start3A_816 = arith.constant 0 : i32
        %dma_start3A_817 = tpu.memref_slice %arg2[%add3A_791, %mul3A_809, %dma_start3A_815, %dma_start3A_816] : memref<256x16x16x256xf32, #tpu.memory_space<hbm>> -> memref<1x2x16x256xf32, #tpu.memory_space<hbm>>
        %dma_start3A_818 = tpu.memref_squeeze %dma_start3A_817 : memref<1x2x16x256xf32, #tpu.memory_space<hbm>> -> memref<2x16x256xf32, #tpu.memory_space<hbm>>
        %dma_start3A_819 = tpu.memref_slice %arg10[%select_n3A_766] : memref<4x!tpu.dma_semaphore, #tpu.memory_space<semaphore_mem>> -> memref<1x!tpu.dma_semaphore, #tpu.memory_space<semaphore_mem>>
        %dma_start3A_820 = tpu.memref_squeeze %dma_start3A_819 : memref<1x!tpu.dma_semaphore, #tpu.memory_space<semaphore_mem>> -> memref<!tpu.dma_semaphore, #tpu.memory_space<semaphore_mem>>
        %dma_start3A_821 = arith.constant 0 : i32
        %dma_start3A_822 = arith.constant 0 : i32
        %dma_start3A_823 = arith.constant 0 : i32
        %dma_start3A_824 = tpu.memref_slice %arg7[%select_n3A_766, %dma_start3A_821, %dma_start3A_822, %dma_start3A_823] : memref<4x2x16x256xf32, #tpu.memory_space<vmem>> -> memref<1x2x16x256xf32, #tpu.memory_space<vmem>>
        %dma_start3A_825 = tpu.memref_squeeze %dma_start3A_824 : memref<1x2x16x256xf32, #tpu.memory_space<vmem>> -> memref<2x16x256xf32, #tpu.memory_space<vmem>>
        %dma_start3A_826 = arith.constant 0 : i32
        %dma_start3A_827 = arith.constant 0 : i32
        %dma_start3A_828 = tpu.memref_slice %arg2[%add3A_791, %mul3A_809, %dma_start3A_826, %dma_start3A_827] : memref<256x16x16x256xf32, #tpu.memory_space<hbm>> -> memref<1x2x16x256xf32, #tpu.memory_space<hbm>>
        %dma_start3A_829 = tpu.memref_squeeze %dma_start3A_828 : memref<1x2x16x256xf32, #tpu.memory_space<hbm>> -> memref<2x16x256xf32, #tpu.memory_space<hbm>>
        tpu.enqueue_dma source(%dma_start3A_829 : memref<2x16x256xf32, #tpu.memory_space<hbm>>) target(%dma_start3A_825 : memref<2x16x256xf32, #tpu.memory_space<vmem>>) target_semaphore(%dma_start3A_820 : memref<!tpu.dma_semaphore, #tpu.memory_space<semaphore_mem>>)
        %add3A_830 = arith.constant 3 : i32
        %add3A_831 = arith.addi %scan3A_525, %add3A_830 : i32
        %add3A_832 = arith.constant 3 : i32
        %add3A_833 = arith.addi %scan3A_525, %add3A_832 : i32
        %jit3A_834 = arith.constant 4 : i32
        %eq3A_835 = arith.constant 0 : i32
        %eq3A_836 = arith.cmpi eq, %jit3A_834, %eq3A_835 : i32
        %jit3A_837 = arith.constant 1 : i32
        %select_n3A_838 = arith.select %eq3A_836, %jit3A_837, %jit3A_834 : i32
        %rem3A_839 = arith.remsi %add3A_833, %select_n3A_838 : i32
        %ne3A_840 = arith.constant 0 : i32
        %ne3A_841 = arith.cmpi ne, %rem3A_839, %ne3A_840 : i32
        %lt3A_842 = arith.constant 0 : i32
        %lt3A_843 = arith.cmpi slt, %rem3A_839, %lt3A_842 : i32
        %lt3A_844 = arith.constant 0 : i32
        %lt3A_845 = arith.cmpi slt, %select_n3A_838, %lt3A_844 : i32
        %ne3A_846 = arith.xori %lt3A_843, %lt3A_845 : i1
        %and3A_847 = arith.andi %ne3A_846, %ne3A_841 : i1
        %add3A_848 = arith.addi %rem3A_839, %select_n3A_838 : i32
        %select_n3A_849 = arith.select %and3A_847, %add3A_848, %rem3A_839 : i32
        %jit3A_850 = arith.constant 8 : i32
        %div3A_851 = arith.divsi %add3A_831, %jit3A_850 : i32
        %sign3A_852 = arith.constant 0 : i32
        %sign3A_853 = arith.cmpi sgt, %add3A_831, %sign3A_852 : i32
        %sign3A_854 = arith.extui %sign3A_853 : i1 to i32
        %sign3A_855 = arith.constant 0 : i32
        %sign3A_856 = arith.cmpi slt, %add3A_831, %sign3A_855 : i32
        %sign3A_857 = arith.extui %sign3A_856 : i1 to i32
        %sign3A_858 = arith.subi %sign3A_854, %sign3A_857 : i32
        %sign3A_859 = arith.constant 0 : i32
        %sign3A_860 = arith.cmpi sgt, %jit3A_850, %sign3A_859 : i32
        %sign3A_861 = arith.extui %sign3A_860 : i1 to i32
        %sign3A_862 = arith.constant 0 : i32
        %sign3A_863 = arith.cmpi slt, %jit3A_850, %sign3A_862 : i32
        %sign3A_864 = arith.extui %sign3A_863 : i1 to i32
        %sign3A_865 = arith.subi %sign3A_861, %sign3A_864 : i32
        %ne3A_866 = arith.cmpi ne, %sign3A_858, %sign3A_865 : i32
        %rem3A_867 = arith.remsi %add3A_831, %jit3A_850 : i32
        %ne3A_868 = arith.constant 0 : i32
        %ne3A_869 = arith.cmpi ne, %rem3A_867, %ne3A_868 : i32
        %and3A_870 = arith.andi %ne3A_866, %ne3A_869 : i1
        %sub3A_871 = arith.constant 1 : i32
        %sub3A_872 = arith.subi %div3A_851, %sub3A_871 : i32
        %select_n3A_873 = arith.select %and3A_870, %sub3A_872, %div3A_851 : i32
        %add3A_874 = arith.addi %mul3A_2, %select_n3A_873 : i32
        %get3A_875 = arith.index_cast %add3A_874 : i32 to index
        %get3A_876 = tpu.vector_load %arg6[%get3A_875] {strides = array<i32>} : memref<272xi32, #tpu.memory_space<vmem>>, vector<16xi32>,
        %slice3A_877 = vector.extract_strided_slice %get3A_876 {offsets = [0], sizes = [1], strides = [1]} : vector<16xi32> to vector<1xi32>
        %squeeze3A_878 = vector.extract %slice3A_877[0] : i32 from vector<1xi32>
        %mul3A_879 = arith.constant 65536 : i32
        %mul3A_880 = arith.muli %squeeze3A_878, %mul3A_879 : i32
        %jit3A_881 = arith.constant 8 : i32
        %eq3A_882 = arith.constant 0 : i32
        %eq3A_883 = arith.cmpi eq, %jit3A_881, %eq3A_882 : i32
        %jit3A_884 = arith.constant 1 : i32
        %select_n3A_885 = arith.select %eq3A_883, %jit3A_884, %jit3A_881 : i32
        %rem3A_886 = arith.remsi %add3A_831, %select_n3A_885 : i32
        %ne3A_887 = arith.constant 0 : i32
        %ne3A_888 = arith.cmpi ne, %rem3A_886, %ne3A_887 : i32
        %lt3A_889 = arith.constant 0 : i32
        %lt3A_890 = arith.cmpi slt, %rem3A_886, %lt3A_889 : i32
        %lt3A_891 = arith.constant 0 : i32
        %lt3A_892 = arith.cmpi slt, %select_n3A_885, %lt3A_891 : i32
        %ne3A_893 = arith.xori %lt3A_890, %lt3A_892 : i1
        %and3A_894 = arith.andi %ne3A_893, %ne3A_888 : i1
        %add3A_895 = arith.addi %rem3A_886, %select_n3A_885 : i32
        %select_n3A_896 = arith.select %and3A_894, %add3A_895, %rem3A_886 : i32
        %mul3A_897 = arith.constant 8192 : i32
        %mul3A_898 = arith.muli %select_n3A_896, %mul3A_897 : i32
        %add3A_899 = arith.addi %mul3A_880, %mul3A_898 : i32
        %dma_start3A_900 = arith.constant 0 : i32
        %dma_start3A_901 = tpu.memref_slice %arg8[%select_n3A_849, %dma_start3A_900] : memref<4x8192xf32, #tpu.memory_space<vmem>> -> memref<1x8192xf32, #tpu.memory_space<vmem>>
        %dma_start3A_902 = tpu.memref_squeeze %dma_start3A_901 : memref<1x8192xf32, #tpu.memory_space<vmem>> -> memref<8192xf32, #tpu.memory_space<vmem>>
        %dma_start3A_903 = tpu.memref_slice %arg9[%add3A_899] : memref<655360xf32, #tpu.memory_space<vmem_shared>> -> memref<8192xf32, #tpu.memory_space<vmem_shared>>
        %dma_start3A_904 = tpu.memref_slice %arg11[%select_n3A_849] : memref<4x!tpu.dma_semaphore, #tpu.memory_space<semaphore_mem>> -> memref<1x!tpu.dma_semaphore, #tpu.memory_space<semaphore_mem>>
        %dma_start3A_905 = tpu.memref_squeeze %dma_start3A_904 : memref<1x!tpu.dma_semaphore, #tpu.memory_space<semaphore_mem>> -> memref<!tpu.dma_semaphore, #tpu.memory_space<semaphore_mem>>
        %dma_start3A_906 = arith.constant 0 : i32
        %dma_start3A_907 = tpu.memref_slice %arg8[%select_n3A_849, %dma_start3A_906] : memref<4x8192xf32, #tpu.memory_space<vmem>> -> memref<1x8192xf32, #tpu.memory_space<vmem>>
        %dma_start3A_908 = tpu.memref_squeeze %dma_start3A_907 : memref<1x8192xf32, #tpu.memory_space<vmem>> -> memref<8192xf32, #tpu.memory_space<vmem>>
        %dma_start3A_909 = tpu.memref_slice %arg9[%add3A_899] : memref<655360xf32, #tpu.memory_space<vmem_shared>> -> memref<8192xf32, #tpu.memory_space<vmem_shared>>
        tpu.enqueue_dma source(%dma_start3A_909 : memref<8192xf32, #tpu.memory_space<vmem_shared>>) target(%dma_start3A_908 : memref<8192xf32, #tpu.memory_space<vmem>>) target_semaphore(%dma_start3A_905 : memref<!tpu.dma_semaphore, #tpu.memory_space<semaphore_mem>>)
      } else {
      }
    }
    %scan3A_420 = arith.constant 64 : i32
    %add3A_421 = arith.constant 7 : i32
    %add3A_422 = arith.addi %mul3A_2, %add3A_421 : i32
    %dma_wait3A_423 = arith.constant 0 : i32
    %dma_wait3A_424 = arith.constant 0 : i32
    %dma_wait3A_425 = arith.constant 0 : i32
    %dma_wait3A_426 = arith.constant 0 : i32
    %dma_wait3A_427 = arith.constant 0 : i32
    %dma_wait3A_428 = tpu.memref_slice %arg7[%dma_wait3A_423, %dma_wait3A_425, %dma_wait3A_426, %dma_wait3A_427] : memref<4x2x16x256xf32, #tpu.memory_space<vmem>> -> memref<1x2x16x256xf32, #tpu.memory_space<vmem>>
    %dma_wait3A_429 = tpu.memref_squeeze %dma_wait3A_428 : memref<1x2x16x256xf32, #tpu.memory_space<vmem>> -> memref<2x16x256xf32, #tpu.memory_space<vmem>>
    %dma_wait3A_430 = arith.constant 8 : i32
    %dma_wait3A_431 = arith.constant 0 : i32
    %dma_wait3A_432 = arith.constant 0 : i32
    %dma_wait3A_433 = tpu.memref_slice %arg5[%add3A_422, %dma_wait3A_430, %dma_wait3A_431, %dma_wait3A_432] : memref<256x16x16x256xf32, #tpu.memory_space<hbm>> -> memref<1x2x16x256xf32, #tpu.memory_space<hbm>>
    %dma_wait3A_434 = tpu.memref_squeeze %dma_wait3A_433 : memref<1x2x16x256xf32, #tpu.memory_space<hbm>> -> memref<2x16x256xf32, #tpu.memory_space<hbm>>
    %dma_wait3A_435 = tpu.memref_slice %arg12[%dma_wait3A_424] : memref<4x!tpu.dma_semaphore, #tpu.memory_space<semaphore_mem>> -> memref<1x!tpu.dma_semaphore, #tpu.memory_space<semaphore_mem>>
    %dma_wait3A_436 = tpu.memref_squeeze %dma_wait3A_435 : memref<1x!tpu.dma_semaphore, #tpu.memory_space<semaphore_mem>> -> memref<!tpu.dma_semaphore, #tpu.memory_space<semaphore_mem>>
    %dma_wait3A_437 = arith.constant 8 : i32
    %dma_wait3A_438 = arith.constant 0 : i32
    %dma_wait3A_439 = arith.constant 0 : i32
    %dma_wait3A_440 = tpu.memref_slice %arg5[%add3A_422, %dma_wait3A_437, %dma_wait3A_438, %dma_wait3A_439] : memref<256x16x16x256xf32, #tpu.memory_space<hbm>> -> memref<1x2x16x256xf32, #tpu.memory_space<hbm>>
    %dma_wait3A_441 = tpu.memref_squeeze %dma_wait3A_440 : memref<1x2x16x256xf32, #tpu.memory_space<hbm>> -> memref<2x16x256xf32, #tpu.memory_space<hbm>>
    %dma_wait3A_442 = arith.constant 0 : i32
    %dma_wait3A_443 = arith.constant 0 : i32
    %dma_wait3A_444 = arith.constant 0 : i32
    %dma_wait3A_445 = tpu.memref_slice %arg7[%dma_wait3A_423, %dma_wait3A_442, %dma_wait3A_443, %dma_wait3A_444] : memref<4x2x16x256xf32, #tpu.memory_space<vmem>> -> memref<1x2x16x256xf32, #tpu.memory_space<vmem>>
    %dma_wait3A_446 = tpu.memref_squeeze %dma_wait3A_445 : memref<1x2x16x256xf32, #tpu.memory_space<vmem>> -> memref<2x16x256xf32, #tpu.memory_space<vmem>>
    tpu.wait_dma2 semaphore(%dma_wait3A_436 : memref<!tpu.dma_semaphore, #tpu.memory_space<semaphore_mem>>) src(%dma_wait3A_446 : memref<2x16x256xf32, #tpu.memory_space<vmem>>) dst(%dma_wait3A_441 : memref<2x16x256xf32, #tpu.memory_space<hbm>>)
    %add3A_447 = arith.constant 7 : i32
    %add3A_448 = arith.addi %mul3A_2, %add3A_447 : i32
    %dma_wait3A_449 = arith.constant 1 : i32
    %dma_wait3A_450 = arith.constant 1 : i32
    %dma_wait3A_451 = arith.constant 0 : i32
    %dma_wait3A_452 = arith.constant 0 : i32
    %dma_wait3A_453 = arith.constant 0 : i32
    %dma_wait3A_454 = tpu.memref_slice %arg7[%dma_wait3A_449, %dma_wait3A_451, %dma_wait3A_452, %dma_wait3A_453] : memref<4x2x16x256xf32, #tpu.memory_space<vmem>> -> memref<1x2x16x256xf32, #tpu.memory_space<vmem>>
    %dma_wait3A_455 = tpu.memref_squeeze %dma_wait3A_454 : memref<1x2x16x256xf32, #tpu.memory_space<vmem>> -> memref<2x16x256xf32, #tpu.memory_space<vmem>>
    %dma_wait3A_456 = arith.constant 10 : i32
    %dma_wait3A_457 = arith.constant 0 : i32
    %dma_wait3A_458 = arith.constant 0 : i32
    %dma_wait3A_459 = tpu.memref_slice %arg5[%add3A_448, %dma_wait3A_456, %dma_wait3A_457, %dma_wait3A_458] : memref<256x16x16x256xf32, #tpu.memory_space<hbm>> -> memref<1x2x16x256xf32, #tpu.memory_space<hbm>>
    %dma_wait3A_460 = tpu.memref_squeeze %dma_wait3A_459 : memref<1x2x16x256xf32, #tpu.memory_space<hbm>> -> memref<2x16x256xf32, #tpu.memory_space<hbm>>
    %dma_wait3A_461 = tpu.memref_slice %arg12[%dma_wait3A_450] : memref<4x!tpu.dma_semaphore, #tpu.memory_space<semaphore_mem>> -> memref<1x!tpu.dma_semaphore, #tpu.memory_space<semaphore_mem>>
    %dma_wait3A_462 = tpu.memref_squeeze %dma_wait3A_461 : memref<1x!tpu.dma_semaphore, #tpu.memory_space<semaphore_mem>> -> memref<!tpu.dma_semaphore, #tpu.memory_space<semaphore_mem>>
    %dma_wait3A_463 = arith.constant 10 : i32
    %dma_wait3A_464 = arith.constant 0 : i32
    %dma_wait3A_465 = arith.constant 0 : i32
    %dma_wait3A_466 = tpu.memref_slice %arg5[%add3A_448, %dma_wait3A_463, %dma_wait3A_464, %dma_wait3A_465] : memref<256x16x16x256xf32, #tpu.memory_space<hbm>> -> memref<1x2x16x256xf32, #tpu.memory_space<hbm>>
    %dma_wait3A_467 = tpu.memref_squeeze %dma_wait3A_466 : memref<1x2x16x256xf32, #tpu.memory_space<hbm>> -> memref<2x16x256xf32, #tpu.memory_space<hbm>>
    %dma_wait3A_468 = arith.constant 0 : i32
    %dma_wait3A_469 = arith.constant 0 : i32
    %dma_wait3A_470 = arith.constant 0 : i32
    %dma_wait3A_471 = tpu.memref_slice %arg7[%dma_wait3A_449, %dma_wait3A_468, %dma_wait3A_469, %dma_wait3A_470] : memref<4x2x16x256xf32, #tpu.memory_space<vmem>> -> memref<1x2x16x256xf32, #tpu.memory_space<vmem>>
    %dma_wait3A_472 = tpu.memref_squeeze %dma_wait3A_471 : memref<1x2x16x256xf32, #tpu.memory_space<vmem>> -> memref<2x16x256xf32, #tpu.memory_space<vmem>>
    tpu.wait_dma2 semaphore(%dma_wait3A_462 : memref<!tpu.dma_semaphore, #tpu.memory_space<semaphore_mem>>) src(%dma_wait3A_472 : memref<2x16x256xf32, #tpu.memory_space<vmem>>) dst(%dma_wait3A_467 : memref<2x16x256xf32, #tpu.memory_space<hbm>>)
    %add3A_473 = arith.constant 7 : i32
    %add3A_474 = arith.addi %mul3A_2, %add3A_473 : i32
    %dma_wait3A_475 = arith.constant 2 : i32
    %dma_wait3A_476 = arith.constant 2 : i32
    %dma_wait3A_477 = arith.constant 0 : i32
    %dma_wait3A_478 = arith.constant 0 : i32
    %dma_wait3A_479 = arith.constant 0 : i32
    %dma_wait3A_480 = tpu.memref_slice %arg7[%dma_wait3A_475, %dma_wait3A_477, %dma_wait3A_478, %dma_wait3A_479] : memref<4x2x16x256xf32, #tpu.memory_space<vmem>> -> memref<1x2x16x256xf32, #tpu.memory_space<vmem>>
    %dma_wait3A_481 = tpu.memref_squeeze %dma_wait3A_480 : memref<1x2x16x256xf32, #tpu.memory_space<vmem>> -> memref<2x16x256xf32, #tpu.memory_space<vmem>>
    %dma_wait3A_482 = arith.constant 12 : i32
    %dma_wait3A_483 = arith.constant 0 : i32
    %dma_wait3A_484 = arith.constant 0 : i32
    %dma_wait3A_485 = tpu.memref_slice %arg5[%add3A_474, %dma_wait3A_482, %dma_wait3A_483, %dma_wait3A_484] : memref<256x16x16x256xf32, #tpu.memory_space<hbm>> -> memref<1x2x16x256xf32, #tpu.memory_space<hbm>>
    %dma_wait3A_486 = tpu.memref_squeeze %dma_wait3A_485 : memref<1x2x16x256xf32, #tpu.memory_space<hbm>> -> memref<2x16x256xf32, #tpu.memory_space<hbm>>
    %dma_wait3A_487 = tpu.memref_slice %arg12[%dma_wait3A_476] : memref<4x!tpu.dma_semaphore, #tpu.memory_space<semaphore_mem>> -> memref<1x!tpu.dma_semaphore, #tpu.memory_space<semaphore_mem>>
    %dma_wait3A_488 = tpu.memref_squeeze %dma_wait3A_487 : memref<1x!tpu.dma_semaphore, #tpu.memory_space<semaphore_mem>> -> memref<!tpu.dma_semaphore, #tpu.memory_space<semaphore_mem>>
    %dma_wait3A_489 = arith.constant 12 : i32
    %dma_wait3A_490 = arith.constant 0 : i32
    %dma_wait3A_491 = arith.constant 0 : i32
    %dma_wait3A_492 = tpu.memref_slice %arg5[%add3A_474, %dma_wait3A_489, %dma_wait3A_490, %dma_wait3A_491] : memref<256x16x16x256xf32, #tpu.memory_space<hbm>> -> memref<1x2x16x256xf32, #tpu.memory_space<hbm>>
    %dma_wait3A_493 = tpu.memref_squeeze %dma_wait3A_492 : memref<1x2x16x256xf32, #tpu.memory_space<hbm>> -> memref<2x16x256xf32, #tpu.memory_space<hbm>>
    %dma_wait3A_494 = arith.constant 0 : i32
    %dma_wait3A_495 = arith.constant 0 : i32
    %dma_wait3A_496 = arith.constant 0 : i32
    %dma_wait3A_497 = tpu.memref_slice %arg7[%dma_wait3A_475, %dma_wait3A_494, %dma_wait3A_495, %dma_wait3A_496] : memref<4x2x16x256xf32, #tpu.memory_space<vmem>> -> memref<1x2x16x256xf32, #tpu.memory_space<vmem>>
    %dma_wait3A_498 = tpu.memref_squeeze %dma_wait3A_497 : memref<1x2x16x256xf32, #tpu.memory_space<vmem>> -> memref<2x16x256xf32, #tpu.memory_space<vmem>>
    tpu.wait_dma2 semaphore(%dma_wait3A_488 : memref<!tpu.dma_semaphore, #tpu.memory_space<semaphore_mem>>) src(%dma_wait3A_498 : memref<2x16x256xf32, #tpu.memory_space<vmem>>) dst(%dma_wait3A_493 : memref<2x16x256xf32, #tpu.memory_space<hbm>>)
    %add3A_499 = arith.constant 7 : i32
    %add3A_500 = arith.addi %mul3A_2, %add3A_499 : i32
    %dma_wait3A_501 = arith.constant 3 : i32
    %dma_wait3A_502 = arith.constant 3 : i32
    %dma_wait3A_503 = arith.constant 0 : i32
    %dma_wait3A_504 = arith.constant 0 : i32
    %dma_wait3A_505 = arith.constant 0 : i32
    %dma_wait3A_506 = tpu.memref_slice %arg7[%dma_wait3A_501, %dma_wait3A_503, %dma_wait3A_504, %dma_wait3A_505] : memref<4x2x16x256xf32, #tpu.memory_space<vmem>> -> memref<1x2x16x256xf32, #tpu.memory_space<vmem>>
    %dma_wait3A_507 = tpu.memref_squeeze %dma_wait3A_506 : memref<1x2x16x256xf32, #tpu.memory_space<vmem>> -> memref<2x16x256xf32, #tpu.memory_space<vmem>>
    %dma_wait3A_508 = arith.constant 14 : i32
    %dma_wait3A_509 = arith.constant 0 : i32
    %dma_wait3A_510 = arith.constant 0 : i32
    %dma_wait3A_511 = tpu.memref_slice %arg5[%add3A_500, %dma_wait3A_508, %dma_wait3A_509, %dma_wait3A_510] : memref<256x16x16x256xf32, #tpu.memory_space<hbm>> -> memref<1x2x16x256xf32, #tpu.memory_space<hbm>>
    %dma_wait3A_512 = tpu.memref_squeeze %dma_wait3A_511 : memref<1x2x16x256xf32, #tpu.memory_space<hbm>> -> memref<2x16x256xf32, #tpu.memory_space<hbm>>
    %dma_wait3A_513 = tpu.memref_slice %arg12[%dma_wait3A_502] : memref<4x!tpu.dma_semaphore, #tpu.memory_space<semaphore_mem>> -> memref<1x!tpu.dma_semaphore, #tpu.memory_space<semaphore_mem>>
    %dma_wait3A_514 = tpu.memref_squeeze %dma_wait3A_513 : memref<1x!tpu.dma_semaphore, #tpu.memory_space<semaphore_mem>> -> memref<!tpu.dma_semaphore, #tpu.memory_space<semaphore_mem>>
    %dma_wait3A_515 = arith.constant 14 : i32
    %dma_wait3A_516 = arith.constant 0 : i32
    %dma_wait3A_517 = arith.constant 0 : i32
    %dma_wait3A_518 = tpu.memref_slice %arg5[%add3A_500, %dma_wait3A_515, %dma_wait3A_516, %dma_wait3A_517] : memref<256x16x16x256xf32, #tpu.memory_space<hbm>> -> memref<1x2x16x256xf32, #tpu.memory_space<hbm>>
    %dma_wait3A_519 = tpu.memref_squeeze %dma_wait3A_518 : memref<1x2x16x256xf32, #tpu.memory_space<hbm>> -> memref<2x16x256xf32, #tpu.memory_space<hbm>>
    %dma_wait3A_520 = arith.constant 0 : i32
    %dma_wait3A_521 = arith.constant 0 : i32
    %dma_wait3A_522 = arith.constant 0 : i32
    %dma_wait3A_523 = tpu.memref_slice %arg7[%dma_wait3A_501, %dma_wait3A_520, %dma_wait3A_521, %dma_wait3A_522] : memref<4x2x16x256xf32, #tpu.memory_space<vmem>> -> memref<1x2x16x256xf32, #tpu.memory_space<vmem>>
    %dma_wait3A_524 = tpu.memref_squeeze %dma_wait3A_523 : memref<1x2x16x256xf32, #tpu.memory_space<vmem>> -> memref<2x16x256xf32, #tpu.memory_space<vmem>>
    tpu.wait_dma2 semaphore(%dma_wait3A_514 : memref<!tpu.dma_semaphore, #tpu.memory_space<semaphore_mem>>) src(%dma_wait3A_524 : memref<2x16x256xf32, #tpu.memory_space<vmem>>) dst(%dma_wait3A_519 : memref<2x16x256xf32, #tpu.memory_space<hbm>>)
    return
  }
}

</mosaic_0001>

<sc_bundles>
// kernel: _run.3.cloned.1.call-start
scs
__scs_entry_jumppad:
0x0: {  	(pc) =	sbr.rel $0x88, $3  }
0x1: {  	(tag) =	ssettag $0x0;
	lr =	simm.s32 $0x1  }
0x2: {  	[smem:$0x3F9E] =	sst lr;
	_ =	strace $0xD0000000  }
0x3: {  	_ = 	snop  }
0x4: {  	_ = 	snop  }
0x5: {  	_ = 	snop  }
0x6: {  	_ = 	snop  }
0x7: {  	_ = 	snop  }
__scs_overlays_trampoline_lowered:
0x8: {  	[smem:$0x3FAD] =	sst s0  }
0x9: {  	[smem:$0x3FAE] =	sst s1  }
0xa: {  	[smem:$0x3FAF] =	sst s2  }
0xb: {  	[smem:$0x3FB0] =	sst s3  }
0xc: {  	[smem:$0x3FB1] =	sst s4  }
0xd: {  	[smem:$0x3FB2] =	sst s5  }
0xe: {  	[smem:$0x3FB3] =	sst s6  }
0xf: {  	[smem:$0x3FB4] =	sst s7  }
0x10: {  	[smem:$0x3FB5] =	sst s8  }
0x11: {  	[smem:$0x3FB6] =	sst s9;
	s0 =	simm.s32 @!p0 $0x0  }
0x12: {  	s1 =	sld [smem:$0x3F9C];
	s0 =	simm.s32 @p0 $0x1  }
0x13: {  	[smem:$0x3FB7] =	sst s0;
	s0 =	simm.s32 @!p1 $0x0  }
0x14: {  	s2 =	sld [smem:$0x3F9B];
	s0 =	simm.s32 @p1 $0x1  }
0x15: {  	[smem:$0x3FB8] =	sst s0;
	s0 =	simm.s32 @!p2 $0x0  }
0x16: {  	s3 =	sld [smem:$0x3FDB];
	s0 =	simm.s32 @p2 $0x1  }
0x17: {  	s4 =	simm.s32 $0x1BF5;
	[smem:$0x3FBA] =	sst s0  }
0x18: {  	s0 =	sld [smem:$0x3F9D];
	_ =	swait.ge [sflag:s4], $0x0  }
0x19: {  	s7 =	sld [smem:$0x3F9E]  }
0x1a: {  	s8 =	sadd.s32 $0xFFFFE003, lr  }
0x1b: {  	s9 =	sadd.s32 $0xFFFFFEF7, lr;
	s5 =	simm.s32 $0xFFFFFFFF;
	p2 =	slt.u32 s8, $0xFFFFF086  }
0x1c: {  	p1 =	slt.u32 s9, $0xF7A;
	s5 =	simm.s32 @!p2 $0x0  }
0x1d: {  	s5 =	simm.s32 @p1 $0x1;
	p0 =	seq.s32 s7, s2  }
0x1e: {  	s7 =	smul.u32 @!p0 $0xF7A, s2;
	p2 =	seq.s32 @!p0 s5, $0x0  }
0x1f: {  	s9 =	smul.u32 $0xF7A, s1;
	s8 =	simm.s32 @!p0 $0x1BF5;
	p2 =	por !p2, p0  }
0x20: {  	[sflag:s8] =	ssyncset.s32 @!p0 $0xFFFFF086;
	s6 =	sadd.s32 @!p0 s3, s7;
	s7 =	simm.s32 @!p0 $0x108  }
0x21: {  	s3 =	sadd.s32 s3, s9;
	s6 =	sadd.s32 @!p0 $0x88, s6;
	s7 =	simm.s32 @p2 $0x1082  }
0x22: {  	[simem:s7], [sflag:s8] =	dma.local @!p0 [hbm:s6], $0xF7A  }
0x23: {  	s9 =	sor.u32 $0xD0000000, s2;
	s6 =	simm.s32 $0x108;
	_ =	swait.ge @!p0 [sflag:s8], $0x0  }
0x24: {  	s3 =	sadd.s32 $0x88, s3;
	s6 =	simm.s32 @!p1 $0x1082;
	[sflag:s4] =	ssyncset.s32 $0xFFFFF086  }
0x25: {  	[simem:s6], [sflag:s4] =	dma.local [hbm:s3], $0xF7A  }
0x26: {  	[smem:$0x3F9E] =	sst s1;
	(tag) =	ssettag s2;
	_ =	strace s9  }
0x27: {  	s1 =	sld [smem:$0x3FAE]  }
0x28: {  	s2 =	sld [smem:$0x3FAF]  }
0x29: {  	s4 =	sld [smem:$0x3FB1]  }
0x2a: {  	p0 =	seq.s32 s5, $0x0;
	s5 =	sld [smem:$0x3FB2]  }
0x2b: {  	s6 =	sld [smem:$0x3FB3]  }
0x2c: {  	s7 =	sld [smem:$0x3FB4]  }
0x2d: {  	s3 =	simm.s32 $0x108;
	s8 =	sld [smem:$0x3FB5]  }
0x2e: {  	s3 =	simm.s32 @!p0 $0x1082;
	s9 =	sld [smem:$0x3FB6]  }
0x2f: {  	lr =	sadd.s32 s0, s3;
	s0 =	sld [smem:$0x3FAD]  }
0x30: {  	s3 =	sld [smem:$0x3FB0]  }
0x31: {  	[smem:$0x3FB9] =	sst s10  }
0x32: {  	s10 =	sld [smem:$0x3FB7];
	_ =	sdelay $0x3  }
0x33: {  	p0 =	seq.s32 s10, $0x1;
	s10 =	sld [smem:$0x3FB9];
	_ =	sdelay $0x3  }
0x34: {  	[smem:$0x3FB9] =	sst s10  }
0x35: {  	s10 =	sld [smem:$0x3FB8];
	_ =	sdelay $0x3  }
0x36: {  	p1 =	seq.s32 s10, $0x1;
	s10 =	sld [smem:$0x3FB9];
	_ =	sdelay $0x3  }
0x37: {  	[smem:$0x3FB9] =	sst s10  }
0x38: {  	s10 =	sld [smem:$0x3FBA]  }
0x39: {  	_ = 	snop;
	(pc) =	sbr.ind lr, $3  }
0x3a: {  	_ = 	snop  }
0x3b: {  	_ = 	snop  }
0x3c: {  	p2 =	seq.s32 s10, $0x1;
	s10 =	sld [smem:$0x3FB9]  }
0x3d: {  	_ =	shalt  }
0x3e: {  	_ =	shalt  }
0x3f: {  	_ =	shalt  }
0x40: {  	_ =	shalt  }
0x41: {  	_ =	shalt  }
0x42: {  	_ =	shalt  }
0x43: {  	_ =	shalt  }
0x44: {  	_ =	shalt  }
0x45: {  	_ =	shalt  }
0x46: {  	_ =	shalt  }
0x47: {  	_ =	shalt  }
0x48: {  	_ =	shalt  }
0x49: {  	_ =	shalt  }
0x4a: {  	_ =	shalt  }
0x4b: {  	_ =	shalt  }
0x4c: {  	_ =	shalt  }
0x4d: {  	_ =	shalt  }
0x4e: {  	_ =	shalt  }
0x4f: {  	_ =	shalt  }
0x50: {  	_ =	shalt  }
0x51: {  	_ =	shalt  }
0x52: {  	_ =	shalt  }
0x53: {  	_ =	shalt  }
0x54: {  	_ =	shalt  }
0x55: {  	_ =	shalt  }
0x56: {  	_ =	shalt  }
0x57: {  	_ =	shalt  }
0x58: {  	_ =	shalt  }
0x59: {  	_ =	shalt  }
0x5a: {  	_ =	shalt  }
0x5b: {  	_ =	shalt  }
0x5c: {  	_ =	shalt  }
0x5d: {  	_ =	shalt  }
0x5e: {  	_ =	shalt  }
0x5f: {  	_ =	shalt  }
0x60: {  	_ =	shalt  }
0x61: {  	_ =	shalt  }
0x62: {  	_ =	shalt  }
0x63: {  	_ =	shalt  }
0x64: {  	_ =	shalt  }
0x65: {  	_ =	shalt  }
0x66: {  	_ =	shalt  }
0x67: {  	_ =	shalt  }
0x68: {  	_ =	shalt  }
0x69: {  	_ =	shalt  }
0x6a: {  	_ =	shalt  }
0x6b: {  	_ =	shalt  }
0x6c: {  	_ =	shalt  }
0x6d: {  	_ =	shalt  }
0x6e: {  	_ =	shalt  }
0x6f: {  	_ =	shalt  }
0x70: {  	_ =	shalt  }
0x71: {  	_ =	shalt  }
0x72: {  	_ =	shalt  }
0x73: {  	_ =	shalt  }
0x74: {  	_ =	shalt  }
0x75: {  	_ =	shalt  }
0x76: {  	_ =	shalt  }
0x77: {  	_ =	shalt  }
0x78: {  	_ =	shalt  }
0x79: {  	_ =	shalt  }
0x7a: {  	_ =	shalt  }
0x7b: {  	_ =	shalt  }
0x7c: {  	_ =	shalt  }
0x7d: {  	_ =	shalt  }
0x7e: {  	_ =	shalt  }
0x7f: {  	_ =	shalt  }
0x80: {  	_ =	shalt  }
0x81: {  	_ =	shalt  }
0x82: {  	_ =	shalt  }
0x83: {  	_ =	shalt  }
0x84: {  	_ =	shalt  }
0x85: {  	_ =	shalt  }
0x86: {  	_ =	shalt  }
0x87: {  	_ =	shalt  }
.Lfunc_end0:
.L_simem_size_0:
called_computation_lowered:
.L_overlay_start_0:
0x88: {  	s2 =	sld [smem:$0x3FD9]  }
0x89: {  	s3 =	sld [smem:$0x3FFE];
	_ =	sdelay $0x1  }
0x8a: {  	s1 =	srdreg.scid  }
0x8b: {  	s0 =	sand.u32 $0x1, s1  }
0x8c: {  	s18 =	sshll.u32 s0, $0xA;
	s2 =	sadd.s32 s3, s2  }
0x8d: {  	s2 =	sadd.s32 s2, s18  }
0x8e: {  	[smem:$0x3FC5] =	sst s2  }
0x8f: {  	_ = 	snop  }
0x90: {  	s2 =	sld [smem:$0x3FC9]  }
0x91: {  	s19 =	sld [smem:$0x3FC8]  }
0x92: {  	s4 =	sld [smem:$0x3FC7]  }
0x93: {  	s5 =	sld [smem:$0x3FD0];
	(tm) =	ssettm $0x1  }
0x94: {  	s6 =	sld [smem:$0x3FFB];
	_ =	sdelay $0x3  }
0x95: {  	_ =	strace s6  }
0x96: {  	s6 =	sld [smem:$0x3FFC];
	_ =	sdelay $0x3  }
0x97: {  	_ =	strace s6  }
0x98: {  	s6 =	sld [smem:$0x3FFD];
	_ =	sdelay $0x3  }
0x99: {  	_ =	strace s6  }
0x9a: {  	_ =	strace $0x8FFFFFFF  }
0x9b: {  	s20 =	sld [smem:$0x3FDB];
	_ =	sdelay $0x1  }
0x9c: {  	s7 =	simm.s32 $_scs_section_size  }
0x9d: {  	s8 =	simm.s32 $_size__tile_overlayer_lowered;
	s9 =	simm.s32 $_tile_overlayer_lowered  }
0x9e: {  	s23 =	simm.s32 $0x1BFF;
	s22 =	sshll.u32 s9, $0x1;
	s6 =	sadd.s32 s7, s20  }
0x9f: {  	s10 =	simm.s32 $0x0;
	s21 =	sshll.u32 s8, $0x1;
	s8 =	sadd.s32 s22, s6  }
0xa0: {  	[timem:s10], [sflag:s23] =	dma.local [hbm:s8], s21  }
0xa1: {  	_ =	swait.ge [sflag:s23], s21  }
0xa2: {  	s7 =	ssub.s32 $0x0, s21;
	[sflag:s23] =	ssyncset.done $0x0  }
0xa3: {  	[sflag:s23] =	ssyncadd.s32 s7;
	_ =	sdelay $0x1  }
0xa4: {  	s24 =	simm.s32 $0x1B8B  }
0xa5: {  	_ =	swait.ge [sflag:s24], $0x1  }
0xa6: {  	[sflag:s24] =	ssyncset.done $0x0  }
0xa7: {  	s25 =	simm.s32 $0x1B8E;
	[sflag:s24] =	ssyncadd.s32 $0xFFFFFFFF  }
0xa8: {  	s26 =	simm.s32 $execute0_lowered;
	[smem:$0x3FD2] =	sst s25  }
0xa9: {  	s7 =	sshll.u32 s26, $0x1;
	_ =	strace $0x80000046;
	[dreg:$0x1] =	wrdreg $0xFFFFFFFF  }
0xaa: {  	s28 =	simm.s32 $_size_execute0_lowered;
	s6 =	sadd.s32 s6, s7;
	[dreg:$0x0] =	wrdreg $0x0  }
0xab: {  	s7 =	sshll.u32 s28, $0x1;
	[dreg:$0x2] =	wrdreg s6  }
0xac: {  	[dreg:$0x3] =	wrdreg s7  }
0xad: {  	[dreg:$0x4] =	wrdreg $0xC0  }
0xae: {  	_ =	task [dreg:s10], $0x5FFFF  }
0xaf: {  	[dreg:$0x1] =	wrdreg $0xFFFFFFFF  }
0xb0: {  	[dreg:$0x0] =	wrdreg $0x60  }
0xb1: {  	[dreg:$0x2] =	wrdreg s2  }
0xb2: {  	[dreg:$0x3] =	wrdreg s19  }
0xb3: {  	[dreg:$0x4] =	wrdreg s4  }
0xb4: {  	[dreg:$0x5] =	wrdreg s5  }
0xb5: {  	[dreg:$0x6] =	wrdreg $0x101800  }
0xb6: {  	[dreg:$0x7] =	wrdreg $0x9  }
0xb7: {  	_ =	task.clear_ibuf [dreg:s10], $0x8FFFF;
	_ =	strace $0x90000046  }
0xb8: {  	s29 =	simm.s32 $0x9;
	_ =	strace $0x80000048  }
0xb9: {  	_ =	swait.ge [sflag:s29], $0x1  }
0xba: {  	[sflag:s29] =	ssyncadd.s32 $0xFFFFFFFF  }
0xbb: {  	_ =	strace $0x90000048  }
0xbc: {  	_ =	sfence  }
0xbd: {  	s30 =	sld [smem:$0x0];
	_ =	sdelay $0x2  }
0xbe: {  	s31 =	sshll.u32 s1, $0xD;
	s1 =	sshrl.u32 s1, $0x2  }
0xbf: {  	s3 =	sand.u32 $0x4000, s31;
	s1 =	sadd.s32 s1, s30  }
0xc0: {  	s0 =	sor.u32 s3, s0;
	s1 =	sshll.u32 s1, $0x11  }
0xc1: {  	s0 =	sor.u32 s1, s0  }
0xc2: {  	s0 =	sadd.s32 $0x8F2B, s0  }
0xc3: {  	[sflag:s0] =	ssyncadd.remote.s32 $0x1  }
0xc4: {  	_ =	sfence.sel $0xFFFF  }
0xc5: {  	[dreg:$0x0] =	wrdreg $0xFFFFFFFF;
	(pc) =	sbr.abs _section_cstart, $3  }
0xc6: {  	[dreg:$0x1] =	wrdreg $0xFFFFFFFF  }
0xc7: {  	_ =	task.clear_ibuf [dreg:s10], $0x2FFFF;
	_ =	strace $0x9FFFFFFF  }
0xc8: {  	(tm) =	ssettm $0x7FFFFFFF  }
0xc9: {  	_ =	shalt  }
tec
execute0_lowered:
.L_overlay_start_1:
0x0: {  	(tag) =	ssettag $0x1  }
0x1: {  	s1 =	rddreg [dreg:$0x0]  }
0x2: {  	s0 =	rddreg [dreg:$0x2]  }
0x3: {  	s3 =	rddreg [dreg:$0x3]  }
0x4: {  	s4 =	rddreg [dreg:$0x4];
	s6 =	simm.s32 $0x0  }
0x5: {  	s2 =	srdreg.scid;
	s19 =	stileid.u32;
	s28 =	simm.s32 $0x10  }
0x6: {  	s29 =	simm.s32 $0x80;
	s31 =	simm.s32 $0xD;
	[smem:$0x7FF] =	sst s6  }
0x7: {  	s2 =	sand.u32 $0x1, s2;
	s7 =	sshll.u32 s19, $0x4;
	s9 =	smul.u32 $0x5, s19  }
0x8: {  	s16 =	smul.u32 $0xA000, s19;
	s5 =	ssub.s32 $0x2, s2;
	s2 =	sshll.u32 s2, $0x3  }
0x9: {  	_ =	strace $0x80000047;
	s8 =	sshrl.u32 s5, $0x1;
	s7 =	sor.u32 s2, s7  }
0xa: {  	s22 =	sadd.s32 $0x2, s9;
	s14 =	sshll.u32 s9, $0xA;
	s15 =	sshll.u32 s9, $0x1  }
0xb: {  	s17 =	sadd.s32 $0x4, s9;
	s24 =	sshll.u32 s9, $0xD;
	s16 =	sand.u32 $0xE000, s16  }
0xc: {  	s2 =	ssub.s32 s5, s8;
	s21 =	sshll.u32 s7, $0xD;
	s8 =	sadd.s32 $0x3, s9  }
0xd: {  	s23 =	sshll.u32 s22, $0xD;
	s14 =	sor.u32 s15, s14;
	s15 =	sand.u32 $0xF0000, s24  }
0xe: {  	s18 =	sadd.s32 s0, s16;
	s9 =	sadd.s32 $0x1, s9;
	s20 =	sshll.u32 s22, $0xA  }
0xf: {  	s5 =	sshll.u32 s22, $0x1;
	s12 =	sadd.s32 s1, s21;
	s11 =	sshll.u32 s8, $0xD  }
0x10: {  	s14 =	sand.u32 $0x10070, s14;
	s15 =	sadd.s32 s15, s4;
	s25 =	sshll.u32 s9, $0xD  }
0x11: {  	s26 =	sshll.u32 s9, $0xA;
	s9 =	sshll.u32 s9, $0x1;
	s21 =	sshll.u32 s17, $0xD  }
0x12: {  	s5 =	sor.u32 s5, s20;
	s22 =	sand.u32 $0x1F0000, s23;
	s20 =	sshll.u32 s17, $0x1  }
0x13: {  	s10 =	sadd.s32 $0x400, s12;
	[dreg:$0x6] =	wrdreg s12;
	s12 =	sadd.s32 $0x800, s12  }
0x14: {  	s13 =	sand.u32 $0xE000, s11;
	s16 =	sadd.s32 s16, s15;
	s14 =	sadd.s32 s14, s18  }
0x15: {  	s30 =	sand.u32 $0x1F0000, s25;
	s9 =	sor.u32 s9, s26;
	s5 =	sand.u32 $0x30070, s5  }
0x16: {  	s24 =	sand.u32 $0xE000, s21;
	s26 =	sand.u32 $0x1F0000, s11;
	[dreg:$0x7] =	wrdreg s10  }
0x17: {  	s21 =	sand.u32 $0x1F0000, s21;
	[dreg:$0x8] =	wrdreg s12;
	s12 =	sand.u32 $0xE000, s23  }
0x18: {  	[dreg:$0x9] =	wrdreg s14;
	s14 =	sand.u32 $0xE000, s25;
	s18 =	sadd.s32 s30, s4  }
0x19: {  	s9 =	sand.u32 $0x30070, s9;
	s25 =	sshll.u32 s8, $0xA;
	s8 =	sshll.u32 s8, $0x1  }
0x1a: {  	s30 =	sshll.u32 s19, $0x6;
	s10 =	sadd.s32 s26, s4;
	s15 =	sadd.s32 s0, s13  }
0x1b: {  	s19 =	sshll.u32 s17, $0xA;
	s18 =	sadd.s32 s14, s18;
	s14 =	sadd.s32 s0, s14  }
0x1c: {  	s23 =	sadd.s32 s0, s12;
	s10 =	sadd.s32 s13, s10;
	s9 =	sadd.s32 s9, s14  }
0x1d: {  	s0 =	sadd.s32 s0, s24;
	s5 =	sadd.s32 s5, s23;
	[dreg:$0xa] =	wrdreg s9  }
0x1e: {  	s23 =	sshrl.u32 s16, $0x3;
	s26 =	sshrl.u32 s10, $0x3;
	[dreg:$0xb] =	wrdreg s5  }
0x1f: {  	s9 =	sadd.s32 s22, s4;
	s5 =	sor.u32 s8, s25;
	[dreg:$0xf] =	wrdreg s23  }
0x20: {  	s8 =	sadd.s32 s21, s4;
	s22 =	smax.u32 s2, $0x1;
	[dreg:$0x12] =	wrdreg s26  }
0x21: {  	s9 =	sadd.s32 s12, s9;
	s5 =	sand.u32 $0x30070, s5;
	s8 =	sadd.s32 s24, s8  }
0x22: {  	[dreg:$0xe] =	wrdreg s22;
	s24 =	sshrl.u32 s18, $0x3;
	s5 =	sadd.s32 s5, s15  }
.Ltmp0:
0x23: {  	s15 =	sor.u32 $0x1C0D, s30;
	[dreg:$0x10] =	wrdreg s24;
	(pc) =	sbr.rel .LBB2_1-.Ltmp0, $4  }
0x24: {  	s25 =	sshrl.u32 s9, $0x3;
	[dreg:$0xc] =	wrdreg s5;
	s5 =	sor.u32 s20, s19  }
0x25: {  	s30 =	sshrl.u32 s8, $0x3;
	[dreg:$0x11] =	wrdreg s25;
	s5 =	sand.u32 $0x30070, s5  }
0x26: {  	s26 =	simm.s32 $0x1;
	[dreg:$0x13] =	wrdreg s30;
	s0 =	sadd.s32 s5, s0  }
0x27: {  	v0 =	vmov s7;
	s18 =	simm.s32 $0xC;
	s19 =	simm.s32 $0x0;
	[dreg:$0xd] =	wrdreg s0  }
.LBB2_19:
0x28: {  	s0 =	simm.s32 $0x9  }
0x29: {  	_ =	swait.ge [sflag:s0], $0x2000  }
0x2a: {  	[sflag:s0] =	ssyncset.done $0x0  }
0x2b: {  	s24 =	simm.s32 $0xA;
	[sflag:s0] =	ssyncadd.s32 $0xFFFFE000  }
0x2c: {  	_ =	swait.ge [sflag:s24], $0x2000  }
0x2d: {  	[sflag:s24] =	ssyncset.done $0x0  }
0x2e: {  	s25 =	simm.s32 $0xB;
	[sflag:s24] =	ssyncadd.s32 $0xFFFFE000  }
0x2f: {  	_ =	swait.ge [sflag:s25], $0x2000  }
0x30: {  	[sflag:s25] =	ssyncset.done $0x0  }
0x31: {  	[sflag:s25] =	ssyncadd.s32 $0xFFFFE000  }
0x32: {  	_ =	swait.ge [sflag:s18], $0x2000  }
0x33: {  	s19 =	sadd.s32 $0x1, s19;
	s30 =	rddreg [dreg:$0xe]  }
0x34: {  	p0 =	sne.s32 s19, s30  }
.Ltmp1:
0x35: {  	_ = 	snop;
	(pc) =	sbr.rel @!p0 .LBB2_20-.Ltmp1, $3  }
0x36: {  	_ =	sdelay $0x1  }
0x37: {  	[sflag:s18] =	ssyncset.done $0x0  }
0x38: {  	[sflag:s18] =	ssyncadd.s32 $0xFFFFE000  }
.LBB2_1:
0x39: {  	s0 =	rddreg [dreg:$0x6]  }
0x3a: {  	s17 =	rddreg [dreg:$0x7]  }
0x3b: {  	s2 =	simm.s32 $0x180;
	s21 =	rddreg [dreg:$0x8]  }
0x3c: {  	[tilespmem:s2], [sflag:$0x1] =	stream.linear.gather [hbm4b:s0+s6], $0x2000, $0x38;
	[tilespmem:$0x1A180] =	vst v63  }
0x3d: {  	s20 =	simm.s32 $0x2180;
	s23 =	rddreg [dreg:$0x9]  }
0x3e: {  	[tilespmem:s20], [sflag:$0x2] =	stream.linear.gather [hbm4b:s17+s6], $0x2000, $0x38;
	[tilespmem:$0x1A180] =	vst v63  }
0x3f: {  	s22 =	simm.s32 $0x4180;
	s24 =	rddreg [dreg:$0xf]  }
0x40: {  	[tilespmem:s22], [sflag:$0x3] =	stream.linear.gather [hbm4b:s21+s6], $0x2000, $0x38;
	[tilespmem:$0x1A180] =	vst v63  }
0x41: {  	[spmem:s24@s28], [sflag:s15] =	dma.strided [hbm:s23@s29], $0x400, s26, $0x10   }
0x42: {  	s0 =	rddreg [dreg:$0xa]  }
0x43: {  	s2 =	rddreg [dreg:$0x10]  }
0x44: {  	[spmem:s2@s28], [sflag:s15] =	dma.strided [hbm:s0@s29], $0x400, s26, $0x10   }
0x45: {  	s0 =	rddreg [dreg:$0xb]  }
0x46: {  	s2 =	rddreg [dreg:$0x11]  }
0x47: {  	[spmem:s2@s28], [sflag:s15] =	dma.strided [hbm:s0@s29], $0x400, s26, $0x10   }
0x48: {  	s0 =	rddreg [dreg:$0xc]  }
0x49: {  	s2 =	rddreg [dreg:$0x12]  }
0x4a: {  	[spmem:s2@s28], [sflag:s15] =	dma.strided [hbm:s0@s29], $0x400, s26, $0x10   }
0x4b: {  	s0 =	rddreg [dreg:$0xd]  }
0x4c: {  	s2 =	rddreg [dreg:$0x13]  }
0x4d: {  	[spmem:s2@s28], [sflag:s15] =	dma.strided [hbm:s0@s29], $0x400, s26, $0x10   }
0x4e: {  	s25 =	simm.s32 $0xE;
	s0 =	rddreg [dreg:$0x1]  }
0x4f: {  	[tilespmem:s6], [sflag:$0xE] =	stream.linear.gather [hbm4b:s0+s6], $0x100, $0x38;
	[tilespmem:$0x1A180] =	vst v63  }
0x50: {  	_ =	swait.ge [sflag:s25], $0x100  }
0x51: {  	[sflag:s25] =	ssyncset.done $0x0  }
0x52: {  	[sflag:s25] =	ssyncadd.s32 $0xFFFFFF00  }
0x53: {  	_ =	swait.ge [sflag:s31], $0x400  }
0x54: {  	[sflag:s31] =	ssyncset.done $0x0  }
0x55: {  	[sflag:s31] =	ssyncadd.s32 $0xFFFFFC00  }
0x56: {  	_ =	swait.ge [sflag:s31], $0x400  }
0x57: {  	[sflag:s31] =	ssyncset.done $0x0  }
0x58: {  	[sflag:s31] =	ssyncadd.s32 $0xFFFFFC00  }
0x59: {  	_ =	swait.ge [sflag:s31], $0x400  }
0x5a: {  	[sflag:s31] =	ssyncset.done $0x0  }
0x5b: {  	[sflag:s31] =	ssyncadd.s32 $0xFFFFFC00  }
0x5c: {  	_ =	swait.ge [sflag:s31], $0x400  }
0x5d: {  	[sflag:s31] =	ssyncset.done $0x0  }
0x5e: {  	[sflag:s31] =	ssyncadd.s32 $0xFFFFFC00  }
0x5f: {  	_ =	swait.ge [sflag:s31], $0x400  }
0x60: {  	[sflag:s31] =	ssyncset.done $0x0  }
0x61: {  	[sflag:s31] =	ssyncadd.s32 $0xFFFFFC00  }
0x62: {  	[bflag:$0x0] =	sbarrier.arrive $0xFFFF  }
0x63: {  	v1 =	vld [tilespmem:s7+$0x0];
	_ =	sdelay $0x4  }
0x64: {  	(v2sf) =	vpush v1, $0x0;
	_ =	sdelay $0xe  }
0x65: {  	s30 =	spop (v2sf)  }
0x66: {  	s0 =	sshll.u32 s30, $0x12  }
0x67: {  	s0 =	sshra.s32 s0, $0x2  }
0x68: {  	s0 =	sadd.s32 s0, s4  }
0x69: {  	s8 =	simm.s32 $0x8180;
	s9 =	sadd.s32 $0x0, s0  }
0x6a: {  	[tilespmem:s8], [sflag:$0x5] =	stream.linear.gather [spmem:s9], $0x80, $0x38;
	[tilespmem:$0x1A180] =	vst v63  }
0x6b: {  	s9 =	simm.s32 $0x200  }
.LBB2_2:
0x6c: {  	p0 =	sne.s32 s9, $0x7E00  }
.Ltmp2:
0x6d: {  	_ = 	snop;
	(pc) =	sbr.rel @p0 .LBB2_2-.Ltmp2, $4  }
0x6e: {  	_ = 	snop  }
0x6f: {  	s10 =	sshra.s32 s9, $0x2;
	s9 =	sadd.s32 $0x200, s9  }
0x70: {  	s8 =	sadd.s32 $0x200, s8;
	s10 =	sadd.s32 s10, s0  }
0x71: {  	[tilespmem:s8], [sflag:$0x5] =	stream.linear.gather [spmem:s10], $0x80, $0x38;
	[tilespmem:$0x1A180] =	vst v63  }
0x72: {  	v1 =	vld [tilespmem:s7+$0x0];
	_ =	sdelay $0x4  }
0x73: {  	(v2sf) =	vpush v1, $0x0;
	_ =	sdelay $0xe  }
0x74: {  	s0 =	spop (v2sf)  }
0x75: {  	s0 =	sshll.u32 s0, $0x12  }
0x76: {  	s0 =	sshra.s32 s0, $0x2  }
0x77: {  	s0 =	sadd.s32 s0, s4  }
0x78: {  	s0 =	sadd.s32 $0x2000, s0  }
0x79: {  	s8 =	simm.s32 $0x8200;
	s9 =	sadd.s32 $0x0, s0  }
0x7a: {  	[tilespmem:s8], [sflag:$0x6] =	stream.linear.gather [spmem:s9], $0x80, $0x38;
	[tilespmem:$0x1A180] =	vst v63  }
0x7b: {  	s9 =	simm.s32 $0x200  }
.LBB2_4:
0x7c: {  	p0 =	sne.s32 s9, $0x7E00  }
.Ltmp3:
0x7d: {  	_ = 	snop;
	(pc) =	sbr.rel @p0 .LBB2_4-.Ltmp3, $4  }
0x7e: {  	_ = 	snop  }
0x7f: {  	s10 =	sshra.s32 s9, $0x2;
	s9 =	sadd.s32 $0x200, s9  }
0x80: {  	s8 =	sadd.s32 $0x200, s8;
	s10 =	sadd.s32 s10, s0  }
0x81: {  	[tilespmem:s8], [sflag:$0x6] =	stream.linear.gather [spmem:s10], $0x80, $0x38;
	[tilespmem:$0x1A180] =	vst v63  }
0x82: {  	v1 =	vld [tilespmem:s7+$0x0];
	_ =	sdelay $0x4  }
0x83: {  	(v2sf) =	vpush v1, $0x0;
	_ =	sdelay $0xe  }
0x84: {  	s0 =	spop (v2sf)  }
0x85: {  	s0 =	sshll.u32 s0, $0x12  }
0x86: {  	s0 =	sshra.s32 s0, $0x2  }
0x87: {  	s20 =	simm.s32 $0x0;
	s0 =	sadd.s32 s0, s4  }
0x88: {  	s8 =	simm.s32 $0x8280;
	s9 =	simm.s32 $0x0;
	s0 =	sadd.s32 $0x4000, s0  }
.LBB2_6:
0x89: {  	p0 =	sne.s32 s9, $0x7E00  }
.Ltmp4:
0x8a: {  	_ = 	snop;
	(pc) =	sbr.rel @p0 .LBB2_6-.Ltmp4, $4  }
0x8b: {  	s10 =	sshra.s32 s9, $0x2  }
0x8c: {  	s10 =	sadd.s32 s10, s0  }
0x8d: {  	[tilespmem:s8], [sflag:$0x7] =	stream.linear.gather [spmem:s10], $0x80, $0x38;
	[tilespmem:$0x1A180] =	vst v63  }
0x8e: {  	s9 =	sadd.s32 $0x200, s9;
	s8 =	sadd.s32 $0x200, s8  }
.Ltmp5:
0x8f: {  	(pc) =	sbr.rel .LBB2_8-.Ltmp5, $2  }
0x90: {  	_ =	sdelay $0x2  }
0x91: {  	s9 =	simm.s32 $0x3;
	s10 =	simm.s32 $0x3;
	s11 =	simm.s32 $0x0  }
.LBB2_18:
0x92: {  	s11 =	sadd.s32 $0x1, s11  }
0x93: {  	p0 =	sne.s32 s11, $0x40  }
.Ltmp6:
0x94: {  	_ = 	snop;
	(pc) =	sbr.rel @!p0 .LBB2_19-.Ltmp6, $2  }
0x95: {  	_ =	sdelay $0x2  }
0x96: {  	s20 =	sadd.s32 $0x1, s20;
	s10 =	sadd.s32 $0x1, s10;
	s9 =	sadd.s32 $0x1, s9  }
.LBB2_8:
0x97: {  	s12 =	sand.u32 $0x3, s11  }
0x98: {  	s0 =	sadd.s32 $0x1, s12  }
0x99: {  	_ =	swait.ge [sflag:s0], $0x2000  }
0x9a: {  	[sflag:s0] =	ssyncset.done $0x0  }
0x9b: {  	s17 =	sadd.s32 $0x5, s12;
	[sflag:s0] =	ssyncadd.s32 $0xFFFFE000  }
0x9c: {  	s8 =	sshll.u32 s20, $0x7;
	_ =	swait.ge [sflag:s17], $0x2000  }
0x9d: {  	s21 =	sand.u32 $0x180, s8;
	[sflag:s17] =	ssyncset.done $0x0  }
0x9e: {  	s24 =	sadd.s32 $0x8580, s21;
	[sflag:s17] =	ssyncadd.s32 $0xFFFFE000  }
0x9f: {  	v1 =	vld [tilespmem:s24+$0x0]  }
0xa0: {  	v2 =	vld [tilespmem:s24+$0x10]  }
0xa1: {  	v3 =	vld [tilespmem:s24+$0x20]  }
0xa2: {  	v4 =	vld [tilespmem:s24+$0x30]  }
0xa3: {  	v5 =	vld [tilespmem:s24+$0x40]  }
0xa4: {  	v6 =	vld [tilespmem:s24+$0x50]  }
0xa5: {  	v7 =	vld [tilespmem:s24+$0x60]  }
0xa6: {  	v8 =	vld [tilespmem:s24+$0x70]  }
0xa7: {  	v9 =	vld [tilespmem:s24+$0x200]  }
0xa8: {  	v10 =	vld [tilespmem:s24+$0x210]  }
0xa9: {  	v11 =	vld [tilespmem:s24+$0x220]  }
0xaa: {  	v12 =	vld [tilespmem:s24+$0x270]  }
0xab: {  	v13 =	vld [tilespmem:s24+$0x230]  }
0xac: {  	v14 =	vld [tilespmem:s24+$0x240]  }
0xad: {  	v15 =	vld [tilespmem:s24+$0x250]  }
0xae: {  	v16 =	vld [tilespmem:s24+$0x260]  }
0xaf: {  	v63 =	vld [tilespmem:s24+$0xFFFFFC10]  }
0xb0: {  	v17 =	vld [tilespmem:s24+$0xFFFFFC20]  }
0xb1: {  	v18 =	vld [tilespmem:s24+$0xFFFFFC30]  }
0xb2: {  	v19 =	vld [tilespmem:s24+$0xFFFFFC40]  }
0xb3: {  	v20 =	vld [tilespmem:s24+$0xFFFFFC50]  }
0xb4: {  	v21 =	vld [tilespmem:s24+$0xFFFFFC60]  }
0xb5: {  	v22 =	vld [tilespmem:s24+$0xFFFFFC70]  }
0xb6: {  	v23 =	vld [tilespmem:s24+$0xFFFFFE00]  }
0xb7: {  	v24 =	vld [tilespmem:s24+$0xFFFFFE10]  }
0xb8: {  	v25 =	vld [tilespmem:s24+$0xFFFFFE20]  }
0xb9: {  	v26 =	vld [tilespmem:s24+$0xFFFFFE30]  }
0xba: {  	v27 =	vld [tilespmem:s24+$0xFFFFFE40]  }
0xbb: {  	s14 =	simm.s32 $0x0;
	s22 =	sshll.u32 s12, $0xD;
	v28 =	vld [tilespmem:s24+$0xFFFFFE50]  }
0xbc: {  	s23 =	sand.u32 $0x800, s14;
	s8 =	sor.u32 $0x180, s22;
	s22 =	simm.s32 $0x80;
	v29 =	vld [tilespmem:s24+$0xFFFFFE60]  }
0xbd: {  	s13 =	simm.s32 $0x0;
	s25 =	sand.u32 $0x380, s22;
	s17 =	sadd.s32 s23, s8;
	v30 =	vld [tilespmem:s24+$0xFFFFFE70]  }
0xbe: {  	s13 =	sand.u32 $0x300, s13;
	s0 =	sadd.s32 s25, s17;
	v31 =	vld [tilespmem:s24+$0xFFFFFC00]  }
0xbf: {  	s13 =	sadd.s32 s13, s17;
	[tilespmem:s0+$0x470] =	vst.add.f32.msk $0xffff, v12  }
0xc0: {  	[tilespmem:s13+$0x10] =	vst.add.f32.msk $0xffff, v63  }
0xc1: {  	[tilespmem:s13+$0x20] =	vst.add.f32.msk $0xffff, v17  }
0xc2: {  	[tilespmem:s13+$0x30] =	vst.add.f32.msk $0xffff, v18  }
0xc3: {  	[tilespmem:s13+$0x40] =	vst.add.f32.msk $0xffff, v19  }
0xc4: {  	[tilespmem:s13+$0x0] =	vst.add.f32.msk $0xffff, v31  }
0xc5: {  	[tilespmem:s13+$0x50] =	vst.add.f32.msk $0xffff, v20  }
0xc6: {  	[tilespmem:s13+$0x60] =	vst.add.f32.msk $0xffff, v21  }
0xc7: {  	[tilespmem:s13+$0x70] =	vst.add.f32.msk $0xffff, v22  }
0xc8: {  	[tilespmem:s13+$0x400] =	vst.add.f32.msk $0xffff, v23  }
0xc9: {  	[tilespmem:s13+$0x410] =	vst.add.f32.msk $0xffff, v24  }
0xca: {  	[tilespmem:s13+$0x420] =	vst.add.f32.msk $0xffff, v25  }
0xcb: {  	[tilespmem:s13+$0x430] =	vst.add.f32.msk $0xffff, v26  }
0xcc: {  	[tilespmem:s13+$0x440] =	vst.add.f32.msk $0xffff, v27  }
0xcd: {  	[tilespmem:s13+$0x450] =	vst.add.f32.msk $0xffff, v28  }
0xce: {  	[tilespmem:s13+$0x460] =	vst.add.f32.msk $0xffff, v29  }
0xcf: {  	[tilespmem:s13+$0x470] =	vst.add.f32.msk $0xffff, v30  }
0xd0: {  	[tilespmem:s0+$0x0] =	vst.add.f32.msk $0xffff, v1  }
0xd1: {  	[tilespmem:s0+$0x10] =	vst.add.f32.msk $0xffff, v2  }
0xd2: {  	[tilespmem:s0+$0x20] =	vst.add.f32.msk $0xffff, v3  }
0xd3: {  	[tilespmem:s0+$0x30] =	vst.add.f32.msk $0xffff, v4  }
0xd4: {  	[tilespmem:s0+$0x40] =	vst.add.f32.msk $0xffff, v5  }
0xd5: {  	[tilespmem:s0+$0x50] =	vst.add.f32.msk $0xffff, v6  }
0xd6: {  	[tilespmem:s0+$0x60] =	vst.add.f32.msk $0xffff, v7  }
0xd7: {  	[tilespmem:s0+$0x70] =	vst.add.f32.msk $0xffff, v8  }
0xd8: {  	[tilespmem:s0+$0x400] =	vst.add.f32.msk $0xffff, v9  }
0xd9: {  	[tilespmem:s0+$0x410] =	vst.add.f32.msk $0xffff, v10  }
0xda: {  	[tilespmem:s0+$0x420] =	vst.add.f32.msk $0xffff, v11  }
0xdb: {  	s16 =	sand.u32 $0x7, s9;
	[tilespmem:s0+$0x430] =	vst.add.f32.msk $0xffff, v13  }
0xdc: {  	s30 =	sand.u32 $0x3, s10;
	s16 =	sshll.u32 s16, $0xF;
	[tilespmem:s0+$0x440] =	vst.add.f32.msk $0xffff, v14  }
0xdd: {  	s21 =	sadd.s32 $0xC7F0, s21;
	s23 =	simm.s32 $0x0;
	s13 =	sshll.u32 s30, $0x7;
	[tilespmem:s0+$0x450] =	vst.add.f32.msk $0xffff, v15  }
0xde: {  	s24 =	sadd.s32 $0x800, s24;
	s25 =	simm.s32 $0x0;
	[tilespmem:s0+$0x460] =	vst.add.f32.msk $0xffff, v16;
	s13 =	sadd.s32 $0x8180, s13  }
.LBB2_9:
0xdf: {  	v1 =	vld [tilespmem:s24+$0x0]  }
0xe0: {  	v2 =	vld [tilespmem:s24+$0x10]  }
0xe1: {  	v3 =	vld [tilespmem:s24+$0x20]  }
0xe2: {  	v4 =	vld [tilespmem:s24+$0x30]  }
0xe3: {  	v5 =	vld [tilespmem:s24+$0x40]  }
0xe4: {  	v6 =	vld [tilespmem:s24+$0x50]  }
0xe5: {  	v7 =	vld [tilespmem:s24+$0x60]  }
0xe6: {  	v8 =	vld [tilespmem:s24+$0x70]  }
0xe7: {  	v9 =	vld [tilespmem:s24+$0x200]  }
0xe8: {  	v10 =	vld [tilespmem:s24+$0x210]  }
0xe9: {  	v11 =	vld [tilespmem:s24+$0x220]  }
0xea: {  	s23 =	sadd.s32 $0x2, s23;
	v12 =	vld [tilespmem:s24+$0x270]  }
0xeb: {  	s25 =	sadd.s32 $0x200, s25;
	p0 =	slt.u32 s23, $0xE;
	v13 =	vld [tilespmem:s24+$0x230]  }
0xec: {  	s22 =	sadd.s32 $0x100, s22;
	s0 =	sand.u32 $0x800, s25;
	v14 =	vld [tilespmem:s24+$0x240]  }
0xed: {  	s30 =	sadd.s32 $0xFFFFFF80, s22;
	s5 =	sand.u32 $0x380, s22;
	s0 =	sadd.s32 s0, s8;
	v15 =	vld [tilespmem:s24+$0x250]  }
0xee: {  	s2 =	sand.u32 $0x300, s30;
	s30 =	sadd.s32 s5, s0;
	v16 =	vld [tilespmem:s24+$0x260]  }
0xef: {  	s0 =	sadd.s32 s2, s0;
	[tilespmem:s30+$0x470] =	vst.add.f32.msk $0xffff, v12  }
0xf0: {  	v12 =	vld [tilespmem:s24+$0xFFFFFC10]  }
0xf1: {  	v17 =	vld [tilespmem:s24+$0xFFFFFC20]  }
0xf2: {  	v18 =	vld [tilespmem:s24+$0xFFFFFC30]  }
0xf3: {  	v19 =	vld [tilespmem:s24+$0xFFFFFC40]  }
0xf4: {  	v20 =	vld [tilespmem:s24+$0xFFFFFC50]  }
0xf5: {  	v21 =	vld [tilespmem:s24+$0xFFFFFC60]  }
0xf6: {  	v22 =	vld [tilespmem:s24+$0xFFFFFC70]  }
0xf7: {  	v23 =	vld [tilespmem:s24+$0xFFFFFE00]  }
0xf8: {  	v24 =	vld [tilespmem:s24+$0xFFFFFE10]  }
0xf9: {  	v25 =	vld [tilespmem:s24+$0xFFFFFE20]  }
0xfa: {  	v26 =	vld [tilespmem:s24+$0xFFFFFE30]  }
0xfb: {  	v27 =	vld [tilespmem:s24+$0xFFFFFE40]  }
0xfc: {  	v28 =	vld [tilespmem:s24+$0xFFFFFE50]  }
0xfd: {  	v29 =	vld [tilespmem:s24+$0xFFFFFE60]  }
0xfe: {  	v30 =	vld [tilespmem:s24+$0xFFFFFE70]  }
0xff: {  	v31 =	vld [tilespmem:s24+$0xFFFFFC00]  }
0x100: {  	[tilespmem:s0+$0x10] =	vst.add.f32.msk $0xffff, v12  }
0x101: {  	[tilespmem:s0+$0x20] =	vst.add.f32.msk $0xffff, v17  }
0x102: {  	[tilespmem:s0+$0x30] =	vst.add.f32.msk $0xffff, v18  }
0x103: {  	[tilespmem:s0+$0x40] =	vst.add.f32.msk $0xffff, v19  }
0x104: {  	[tilespmem:s0+$0x0] =	vst.add.f32.msk $0xffff, v31  }
0x105: {  	[tilespmem:s0+$0x50] =	vst.add.f32.msk $0xffff, v20  }
0x106: {  	[tilespmem:s0+$0x60] =	vst.add.f32.msk $0xffff, v21  }
0x107: {  	[tilespmem:s0+$0x70] =	vst.add.f32.msk $0xffff, v22  }
0x108: {  	[tilespmem:s0+$0x400] =	vst.add.f32.msk $0xffff, v23  }
0x109: {  	[tilespmem:s0+$0x410] =	vst.add.f32.msk $0xffff, v24  }
0x10a: {  	[tilespmem:s0+$0x420] =	vst.add.f32.msk $0xffff, v25  }
0x10b: {  	[tilespmem:s0+$0x430] =	vst.add.f32.msk $0xffff, v26  }
0x10c: {  	[tilespmem:s0+$0x440] =	vst.add.f32.msk $0xffff, v27  }
0x10d: {  	[tilespmem:s0+$0x450] =	vst.add.f32.msk $0xffff, v28  }
0x10e: {  	[tilespmem:s0+$0x460] =	vst.add.f32.msk $0xffff, v29  }
0x10f: {  	[tilespmem:s0+$0x470] =	vst.add.f32.msk $0xffff, v30  }
0x110: {  	[tilespmem:s30+$0x0] =	vst.add.f32.msk $0xffff, v1  }
0x111: {  	[tilespmem:s30+$0x10] =	vst.add.f32.msk $0xffff, v2  }
0x112: {  	[tilespmem:s30+$0x20] =	vst.add.f32.msk $0xffff, v3  }
0x113: {  	[tilespmem:s30+$0x30] =	vst.add.f32.msk $0xffff, v4  }
0x114: {  	[tilespmem:s30+$0x40] =	vst.add.f32.msk $0xffff, v5  }
0x115: {  	[tilespmem:s30+$0x50] =	vst.add.f32.msk $0xffff, v6  }
0x116: {  	[tilespmem:s30+$0x60] =	vst.add.f32.msk $0xffff, v7  }
0x117: {  	[tilespmem:s30+$0x70] =	vst.add.f32.msk $0xffff, v8  }
0x118: {  	[tilespmem:s30+$0x400] =	vst.add.f32.msk $0xffff, v9  }
0x119: {  	[tilespmem:s30+$0x410] =	vst.add.f32.msk $0xffff, v10  }
.Ltmp7:
0x11a: {  	[tilespmem:s30+$0x420] =	vst.add.f32.msk $0xffff, v11;
	(pc) =	sbr.rel @p0 .LBB2_9-.Ltmp7, $4  }
0x11b: {  	[tilespmem:s30+$0x430] =	vst.add.f32.msk $0xffff, v13  }
0x11c: {  	[tilespmem:s30+$0x440] =	vst.add.f32.msk $0xffff, v14  }
0x11d: {  	[tilespmem:s30+$0x450] =	vst.add.f32.msk $0xffff, v15  }
0x11e: {  	s24 =	sadd.s32 $0x800, s24;
	[tilespmem:s30+$0x460] =	vst.add.f32.msk $0xffff, v16  }
0x11f: {  	v1 =	vld [tilespmem:s21+$0xFFFFFD90]  }
0x120: {  	v2 =	vld [tilespmem:s21+$0xFFFFFDA0]  }
0x121: {  	v3 =	vld [tilespmem:s21+$0xFFFFFDB0]  }
0x122: {  	v4 =	vld [tilespmem:s21+$0xFFFFFDC0]  }
0x123: {  	v5 =	vld [tilespmem:s21+$0xFFFFFDD0]  }
0x124: {  	v6 =	vld [tilespmem:s21+$0xFFFFFDE0]  }
0x125: {  	v7 =	vld [tilespmem:s21+$0xFFFFFDF0]  }
0x126: {  	v8 =	vld [tilespmem:s21+$0xFFFFFE00]  }
0x127: {  	v9 =	vld [tilespmem:s21+$0xFFFFFF90]  }
0x128: {  	v10 =	vld [tilespmem:s21+$0xFFFFFFA0]  }
0x129: {  	v11 =	vld [tilespmem:s21+$0xFFFFFFB0]  }
0x12a: {  	v12 =	vld [tilespmem:s21+$0x0]  }
0x12b: {  	v13 =	vld [tilespmem:s21+$0xFFFFFFC0]  }
0x12c: {  	v14 =	vld [tilespmem:s21+$0xFFFFFFD0]  }
0x12d: {  	v15 =	vld [tilespmem:s21+$0xFFFFFFE0]  }
0x12e: {  	v16 =	vld [tilespmem:s21+$0xFFFFFFF0]  }
0x12f: {  	v63 =	vld [tilespmem:s21+$0xFFFFF9A0]  }
0x130: {  	v17 =	vld [tilespmem:s21+$0xFFFFF9B0]  }
0x131: {  	v18 =	vld [tilespmem:s21+$0xFFFFF9C0]  }
0x132: {  	v19 =	vld [tilespmem:s21+$0xFFFFF9D0]  }
0x133: {  	v20 =	vld [tilespmem:s21+$0xFFFFF9E0]  }
0x134: {  	v21 =	vld [tilespmem:s21+$0xFFFFF9F0]  }
0x135: {  	v22 =	vld [tilespmem:s21+$0xFFFFFA00]  }
0x136: {  	v23 =	vld [tilespmem:s21+$0xFFFFFB90]  }
0x137: {  	v24 =	vld [tilespmem:s21+$0xFFFFFBA0]  }
0x138: {  	v25 =	vld [tilespmem:s21+$0xFFFFFBB0]  }
0x139: {  	v26 =	vld [tilespmem:s21+$0xFFFFFBC0]  }
0x13a: {  	v27 =	vld [tilespmem:s21+$0xFFFFFBD0]  }
0x13b: {  	v28 =	vld [tilespmem:s21+$0xFFFFFBE0]  }
0x13c: {  	v29 =	vld [tilespmem:s21+$0xFFFFFBF0]  }
0x13d: {  	s0 =	sand.u32 $0x300, s14;
	v30 =	vld [tilespmem:s21+$0xFFFFFC00]  }
0x13e: {  	v31 =	vld [tilespmem:s21+$0xFFFFF990];
	s0 =	sadd.s32 s0, s17  }
0x13f: {  	[tilespmem:s0+$0x14F0] =	vst.add.f32.msk $0xffff, v12  }
0x140: {  	[tilespmem:s0+$0x1010] =	vst.add.f32.msk $0xffff, v63  }
0x141: {  	[tilespmem:s0+$0x1020] =	vst.add.f32.msk $0xffff, v17  }
0x142: {  	[tilespmem:s0+$0x1030] =	vst.add.f32.msk $0xffff, v18  }
0x143: {  	[tilespmem:s0+$0x1040] =	vst.add.f32.msk $0xffff, v19  }
0x144: {  	[tilespmem:s0+$0x1000] =	vst.add.f32.msk $0xffff, v31  }
0x145: {  	[tilespmem:s0+$0x1050] =	vst.add.f32.msk $0xffff, v20  }
0x146: {  	[tilespmem:s0+$0x1060] =	vst.add.f32.msk $0xffff, v21  }
0x147: {  	[tilespmem:s0+$0x1070] =	vst.add.f32.msk $0xffff, v22  }
0x148: {  	[tilespmem:s0+$0x1400] =	vst.add.f32.msk $0xffff, v23  }
0x149: {  	[tilespmem:s0+$0x1410] =	vst.add.f32.msk $0xffff, v24  }
0x14a: {  	[tilespmem:s0+$0x1420] =	vst.add.f32.msk $0xffff, v25  }
0x14b: {  	[tilespmem:s0+$0x1430] =	vst.add.f32.msk $0xffff, v26  }
0x14c: {  	[tilespmem:s0+$0x1440] =	vst.add.f32.msk $0xffff, v27  }
0x14d: {  	[tilespmem:s0+$0x1450] =	vst.add.f32.msk $0xffff, v28  }
0x14e: {  	[tilespmem:s0+$0x1460] =	vst.add.f32.msk $0xffff, v29  }
0x14f: {  	[tilespmem:s0+$0x1470] =	vst.add.f32.msk $0xffff, v30  }
0x150: {  	[tilespmem:s0+$0x1080] =	vst.add.f32.msk $0xffff, v1  }
0x151: {  	[tilespmem:s0+$0x1090] =	vst.add.f32.msk $0xffff, v2  }
0x152: {  	[tilespmem:s0+$0x10A0] =	vst.add.f32.msk $0xffff, v3  }
0x153: {  	[tilespmem:s0+$0x10B0] =	vst.add.f32.msk $0xffff, v4  }
0x154: {  	[tilespmem:s0+$0x10C0] =	vst.add.f32.msk $0xffff, v5  }
0x155: {  	[tilespmem:s0+$0x10D0] =	vst.add.f32.msk $0xffff, v6  }
0x156: {  	[tilespmem:s0+$0x10E0] =	vst.add.f32.msk $0xffff, v7  }
0x157: {  	[tilespmem:s0+$0x10F0] =	vst.add.f32.msk $0xffff, v8  }
0x158: {  	[tilespmem:s0+$0x1480] =	vst.add.f32.msk $0xffff, v9  }
0x159: {  	[tilespmem:s0+$0x1490] =	vst.add.f32.msk $0xffff, v10  }
0x15a: {  	[tilespmem:s0+$0x14A0] =	vst.add.f32.msk $0xffff, v11  }
0x15b: {  	[tilespmem:s0+$0x14B0] =	vst.add.f32.msk $0xffff, v13  }
0x15c: {  	[tilespmem:s0+$0x14C0] =	vst.add.f32.msk $0xffff, v14  }
0x15d: {  	[tilespmem:s0+$0x14D0] =	vst.add.f32.msk $0xffff, v15  }
0x15e: {  	s21 =	sadd.s32 $0x800, s21;
	s22 =	simm.s32 $0x0;
	s17 =	simm.s32 $0x0;
	[tilespmem:s0+$0x14E0] =	vst.add.f32.msk $0xffff, v16  }
.LBB2_11:
0x15f: {  	v1 =	vld [tilespmem:s21+$0xFFFFFD90]  }
0x160: {  	v2 =	vld [tilespmem:s21+$0xFFFFFDA0]  }
0x161: {  	v3 =	vld [tilespmem:s21+$0xFFFFFDB0]  }
0x162: {  	v4 =	vld [tilespmem:s21+$0xFFFFFDC0]  }
0x163: {  	v5 =	vld [tilespmem:s21+$0xFFFFFDD0]  }
0x164: {  	v6 =	vld [tilespmem:s21+$0xFFFFFDE0]  }
0x165: {  	v7 =	vld [tilespmem:s21+$0xFFFFFDF0]  }
0x166: {  	v8 =	vld [tilespmem:s21+$0xFFFFFE00]  }
0x167: {  	v9 =	vld [tilespmem:s21+$0xFFFFFF90]  }
0x168: {  	v10 =	vld [tilespmem:s21+$0xFFFFFFA0]  }
0x169: {  	v11 =	vld [tilespmem:s21+$0xFFFFFFB0]  }
0x16a: {  	s17 =	sadd.s32 $0x2, s17;
	v12 =	vld [tilespmem:s21+$0x0]  }
0x16b: {  	s14 =	sadd.s32 $0x200, s14;
	p0 =	slt.u32 s17, $0xE;
	v13 =	vld [tilespmem:s21+$0xFFFFFFC0]  }
0x16c: {  	s22 =	sadd.s32 $0x100, s22;
	s0 =	sand.u32 $0x800, s14;
	v14 =	vld [tilespmem:s21+$0xFFFFFFD0]  }
0x16d: {  	s2 =	sand.u32 $0x300, s22;
	s0 =	sadd.s32 s0, s8;
	v15 =	vld [tilespmem:s21+$0xFFFFFFE0]  }
0x16e: {  	s23 =	sadd.s32 s2, s0;
	v16 =	vld [tilespmem:s21+$0xFFFFFFF0]  }
0x16f: {  	[tilespmem:s23+$0x14F0] =	vst.add.f32.msk $0xffff, v12  }
0x170: {  	v12 =	vld [tilespmem:s21+$0xFFFFF9A0]  }
0x171: {  	v17 =	vld [tilespmem:s21+$0xFFFFF9B0]  }
0x172: {  	v18 =	vld [tilespmem:s21+$0xFFFFF9C0]  }
0x173: {  	v19 =	vld [tilespmem:s21+$0xFFFFF9D0]  }
0x174: {  	v20 =	vld [tilespmem:s21+$0xFFFFF9E0]  }
0x175: {  	v21 =	vld [tilespmem:s21+$0xFFFFF9F0]  }
0x176: {  	v22 =	vld [tilespmem:s21+$0xFFFFFA00]  }
0x177: {  	v23 =	vld [tilespmem:s21+$0xFFFFFB90]  }
0x178: {  	v24 =	vld [tilespmem:s21+$0xFFFFFBA0]  }
0x179: {  	v25 =	vld [tilespmem:s21+$0xFFFFFBB0]  }
0x17a: {  	v26 =	vld [tilespmem:s21+$0xFFFFFBC0]  }
0x17b: {  	v27 =	vld [tilespmem:s21+$0xFFFFFBD0]  }
0x17c: {  	v28 =	vld [tilespmem:s21+$0xFFFFFBE0]  }
0x17d: {  	v29 =	vld [tilespmem:s21+$0xFFFFFBF0]  }
0x17e: {  	v30 =	vld [tilespmem:s21+$0xFFFFFC00]  }
0x17f: {  	v31 =	vld [tilespmem:s21+$0xFFFFF990]  }
0x180: {  	[tilespmem:s23+$0x1010] =	vst.add.f32.msk $0xffff, v12  }
0x181: {  	[tilespmem:s23+$0x1020] =	vst.add.f32.msk $0xffff, v17  }
0x182: {  	[tilespmem:s23+$0x1030] =	vst.add.f32.msk $0xffff, v18  }
0x183: {  	[tilespmem:s23+$0x1040] =	vst.add.f32.msk $0xffff, v19  }
0x184: {  	[tilespmem:s23+$0x1000] =	vst.add.f32.msk $0xffff, v31  }
0x185: {  	[tilespmem:s23+$0x1050] =	vst.add.f32.msk $0xffff, v20  }
0x186: {  	[tilespmem:s23+$0x1060] =	vst.add.f32.msk $0xffff, v21  }
0x187: {  	[tilespmem:s23+$0x1070] =	vst.add.f32.msk $0xffff, v22  }
0x188: {  	[tilespmem:s23+$0x1400] =	vst.add.f32.msk $0xffff, v23  }
0x189: {  	[tilespmem:s23+$0x1410] =	vst.add.f32.msk $0xffff, v24  }
0x18a: {  	[tilespmem:s23+$0x1420] =	vst.add.f32.msk $0xffff, v25  }
0x18b: {  	[tilespmem:s23+$0x1430] =	vst.add.f32.msk $0xffff, v26  }
0x18c: {  	[tilespmem:s23+$0x1440] =	vst.add.f32.msk $0xffff, v27  }
0x18d: {  	[tilespmem:s23+$0x1450] =	vst.add.f32.msk $0xffff, v28  }
0x18e: {  	[tilespmem:s23+$0x1460] =	vst.add.f32.msk $0xffff, v29  }
0x18f: {  	[tilespmem:s23+$0x1470] =	vst.add.f32.msk $0xffff, v30  }
0x190: {  	[tilespmem:s23+$0x1080] =	vst.add.f32.msk $0xffff, v1  }
0x191: {  	[tilespmem:s23+$0x1090] =	vst.add.f32.msk $0xffff, v2  }
0x192: {  	[tilespmem:s23+$0x10A0] =	vst.add.f32.msk $0xffff, v3  }
0x193: {  	[tilespmem:s23+$0x10B0] =	vst.add.f32.msk $0xffff, v4  }
0x194: {  	[tilespmem:s23+$0x10C0] =	vst.add.f32.msk $0xffff, v5  }
0x195: {  	[tilespmem:s23+$0x10D0] =	vst.add.f32.msk $0xffff, v6  }
0x196: {  	[tilespmem:s23+$0x10E0] =	vst.add.f32.msk $0xffff, v7  }
0x197: {  	[tilespmem:s23+$0x10F0] =	vst.add.f32.msk $0xffff, v8  }
0x198: {  	[tilespmem:s23+$0x1480] =	vst.add.f32.msk $0xffff, v9  }
0x199: {  	[tilespmem:s23+$0x1490] =	vst.add.f32.msk $0xffff, v10  }
.Ltmp8:
0x19a: {  	[tilespmem:s23+$0x14A0] =	vst.add.f32.msk $0xffff, v11;
	(pc) =	sbr.rel @p0 .LBB2_11-.Ltmp8, $4  }
0x19b: {  	[tilespmem:s23+$0x14B0] =	vst.add.f32.msk $0xffff, v13  }
0x19c: {  	[tilespmem:s23+$0x14C0] =	vst.add.f32.msk $0xffff, v14  }
0x19d: {  	[tilespmem:s23+$0x14D0] =	vst.add.f32.msk $0xffff, v15  }
0x19e: {  	s21 =	sadd.s32 $0x800, s21;
	[tilespmem:s23+$0x14E0] =	vst.add.f32.msk $0xffff, v16  }
0x19f: {  	s30 =	sadd.s32 $0xFFFFFFFF, s11  }
0x1a0: {  	s0 =	sshrl.u32 s11, $0x3;
	s2 =	sshll.u32 s11, $0xA;
	p0 =	sgt.u32 s30, $0x3B  }
.Ltmp9:
0x1a1: {  	s0 =	sadd.s32 s7, s0;
	s2 =	sand.u32 $0x1C00, s2;
	(pc) =	sbr.rel @p0 .LBB2_14-.Ltmp9, $4  }
0x1a2: {  	s0 =	sshll.u32 s0, $0xD;
	s2 =	sadd.s32 s3, s2  }
0x1a3: {  	s5 =	sadd.s32 $0x9, s12;
	s0 =	sadd.s32 s0, s2  }
0x1a4: {  	[hbm4b:s0+s6] =	stream.linear.scatter [tilespmem:s8], [sflag:s5], $0x2000, $0x38;
	[tilespmem:$0x1A180] =	vst v63  }
0x1a5: {  	s8 =	sadd.s32 $0x3, s11  }
.Ltmp10:
0x1a6: {  	s0 =	sand.u32 $0x3, s8;
	(pc) =	sbr.rel .LBB2_16-.Ltmp10, $4  }
0x1a7: {  	s2 =	sadd.s32 $0x9, s0  }
0x1a8: {  	_ =	swait.ge [sflag:s2], $0x2000  }
0x1a9: {  	[sflag:s2] =	ssyncset.done $0x0  }
0x1aa: {  	[sflag:s2] =	ssyncadd.s32 $0xFFFFE000  }
.LBB2_14:
0x1ab: {  	p0 =	sgt.u32 s11, $0x3C  }
.Ltmp11:
0x1ac: {  	_ = 	snop;
	(pc) =	sbr.rel @p0 .LBB2_18-.Ltmp11, $1  }
0x1ad: {  	_ =	sdelay $0x3  }
0x1ae: {  	s0 =	sand.u32 $0x3, s8  }
.LBB2_16:
0x1af: {  	s2 =	sshrl.u32 s8, $0x3;
	s5 =	sand.u32 $0x7, s8  }
0x1b0: {  	s12 =	sshll.u32 s0, $0xD;
	s24 =	sadd.s32 s7, s2;
	s5 =	sshll.u32 s5, $0xA  }
0x1b1: {  	s14 =	sadd.s32 $0x1, s0;
	s8 =	sshll.u32 s24, $0xD;
	s5 =	sadd.s32 s1, s5  }
0x1b2: {  	s25 =	simm.s32 $0x0;
	s12 =	sor.u32 $0x180, s12;
	s5 =	sadd.s32 s8, s5  }
0x1b3: {  	[tilespmem:s12], [sflag:s14] =	stream.linear.gather [hbm4b:s5+s25], $0x2000, $0x38;
	[tilespmem:$0x1A180] =	vst v63  }
0x1b4: {  	v1 =	vld.idx.msk [tilespmem:v0+s2+$0x0 ss:$0x1], $0xffff;
	_ =	sdelay $0x4  }
0x1b5: {  	(v2sf) =	vpush v1, $0x0;
	_ =	sdelay $0xe  }
0x1b6: {  	s30 =	spop (v2sf)  }
0x1b7: {  	s2 =	sshll.u32 s30, $0x12  }
0x1b8: {  	s2 =	sor.u32 s16, s2  }
0x1b9: {  	s2 =	sshra.s32 s2, $0x2  }
0x1ba: {  	s8 =	sadd.s32 s2, s4  }
0x1bb: {  	s0 =	sadd.s32 $0x5, s0;
	s12 =	simm.s32 $0x200;
	s2 =	sadd.s32 $0x0, s8  }
0x1bc: {  	[tilespmem:s13], [sflag:s0] =	stream.linear.gather [spmem:s2], $0x80, $0x38;
	[tilespmem:$0x1A180] =	vst v63  }
.LBB2_17:
0x1bd: {  	p0 =	sne.s32 s12, $0x7E00  }
.Ltmp12:
0x1be: {  	_ = 	snop;
	(pc) =	sbr.rel @p0 .LBB2_17-.Ltmp12, $4  }
0x1bf: {  	_ = 	snop  }
0x1c0: {  	s2 =	sshra.s32 s12, $0x2;
	s12 =	sadd.s32 $0x200, s12  }
0x1c1: {  	s13 =	sadd.s32 $0x200, s13;
	s2 =	sadd.s32 s2, s8  }
0x1c2: {  	[tilespmem:s13], [sflag:s0] =	stream.linear.gather [spmem:s2], $0x80, $0x38;
	[tilespmem:$0x1A180] =	vst v63  }
.Ltmp13:
0x1c3: {  	_ = 	snop;
	(pc) =	sbr.rel .LBB2_18-.Ltmp13, $1  }
0x1c4: {  	_ =	sdelay $0x3  }
.LBB2_20:
0x1c5: {  	_ =	sfence.sel $0x180000  }
0x1c6: {  	[bflag:$0x0] =	sbarrier.arrive $0xFFFF  }
0x1c7: {  	_ =	strace $0x90000047  }
0x1c8: {  	s0 =	stileid.u32;
	[bflag:$0x2] =	sbarrier.arrive $0xFFFF  }
0x1c9: {  	p0 =	sne.s32 s0, $0x0;
	s0 =	rddreg [dreg:$0x5]  }
0x1ca: {  	s0 =	sadd.s32 @!p0 $0x100000, s0  }
0x1cb: {  	[sflag:s0] =	ssyncadd.tile.s32 @!p0 $0x1;
	_ =	shalt  }
.Lfunc_end2:
_tile_overlayer_lowered:
.L_overlay_start_2:
0x1cc: {  	(tag) =	ssettag $0x2  }
0x1cd: {  	s0 =	rddreg [dreg:$0x0];
	s2 =	stileid.u32  }
0x1ce: {  	s1 =	rddreg [dreg:$0x1];
	p0 =	sne.s32 s2, $0x0  }
0x1cf: {  	s3 =	rddreg [dreg:$0x2];
	[bflag:$0x3] =	sbarrier.arrive $0xFFFF;
	s2 =	simm.s32 @!p0 $0x1C0E  }
0x1d0: {  	[timem:s3], [sflag:s2] =	dma.local @!p0 [hbm:s0], s1  }
0x1d1: {  	s0 =	simm.s32 @!p0 $0xE  }
0x1d2: {  	_ =	swait.ge @!p0 [sflag:s0], s1  }
0x1d3: {  	s1 =	ssub.s32 @!p0 $0x0, s1;
	[sflag:s0] =	ssyncset.done @!p0 $0x0  }
0x1d4: {  	[sflag:s0] =	ssyncadd.s32 @!p0 s1  }
0x1d5: {  	[bflag:$0x3] =	sbarrier.arrive $0xFFFF  }
0x1d6: {  	_ =	shalt  }

</sc_bundles>
